<compile_context>
chip_gen: v7x
topology: tpu7x:2x2x1
jax: 0.10.2.dev20260603
libtpu: 0.0.44.dev20260713+nightly
codegen_flags: <defaults>
</compile_context>

<pallas_src>
import math

import jax
import jax.numpy as jnp
from jax import lax
from jax.experimental import pallas as pl
from jax.experimental.pallas import tpu as pltpu
from jax.experimental.pallas import tpu_sc as plsc

_NW = 32
_WIN = 128
_W = 2
_K = _W * _WIN


def _scale_table(table, scale):
    v, d = table.shape
    rows = 4000
    assert v % rows == 0

    def body(t_ref, o_ref):
        o_ref[...] = t_ref[...] * scale

    return pl.pallas_call(
        body,
        grid=(v // rows,),
        in_specs=[pl.BlockSpec((rows, d), lambda i: (i, 0))],
        out_specs=pl.BlockSpec((rows, d), lambda i: (i, 0)),
        out_shape=jax.ShapeDtypeStruct((v, d), table.dtype),
    )(table)


def kernel(tokens, table):
    v, d = table.shape
    b, s = tokens.shape
    n = b * s
    assert n % (_NW * _K) == 0
    c_per_w = n // (_NW * _K)
    assert c_per_w % 2 == 0

    scaled = _scale_table(table, math.sqrt(d))
    idx = tokens.reshape(_NW, c_per_w, _W, _WIN).astype(jnp.int32)

    mesh = plsc.VectorSubcoreMesh(
        core_axis_name="core", subcore_axis_name="subcore"
    )

    @pl.kernel(
        out_type=jax.ShapeDtypeStruct((_NW, c_per_w, _K, d), table.dtype),
        mesh=mesh,
        scratch_types=[
            pltpu.VMEM((2, _W, _WIN), jnp.int32),
            pltpu.VMEM((2, _K, d), jnp.float32),
            pltpu.SemaphoreType.DMA((2,)),
            pltpu.SemaphoreType.DMA((2,)),
            pltpu.SemaphoreType.DMA((2,)),
        ],
    )
    def gather_kernel(x_hbm, i_hbm, o_hbm, idx_v, rows_v, gsem, wsem, isem):
        wid = lax.axis_index("subcore") * 2 + lax.axis_index("core")

        def fire_gathers(bb, cc):
            for j in range(_W):
                pltpu.make_async_copy(
                    x_hbm.at[idx_v.at[bb, j]],
                    rows_v.at[bb, pl.ds(j * _WIN, _WIN)],
                    gsem.at[bb],
                ).start()

        pltpu.sync_copy(i_hbm.at[wid, 0], idx_v.at[0])
        fire_gathers(0, 0)
        pltpu.make_async_copy(i_hbm.at[wid, 1], idx_v.at[1], isem.at[1]).start()

        def work(c, bb, nb):
            @pl.when(c + 1 < c_per_w)
            def _():
                pltpu.make_async_copy(
                    i_hbm.at[wid, 0], idx_v.at[nb], isem.at[nb]
                ).wait()

                @pl.when(c > 0)
                def _():
                    pltpu.make_async_copy(
                        rows_v.at[nb], o_hbm.at[wid, 0], wsem.at[nb]
                    ).wait()

                fire_gathers(nb, c + 1)

            pltpu.make_async_copy(
                o_hbm.at[wid, 0], rows_v.at[bb], gsem.at[bb]
            ).wait()

            @pl.when(c + 2 < c_per_w)
            def _():
                pltpu.make_async_copy(
                    i_hbm.at[wid, c + 2], idx_v.at[bb], isem.at[bb]
                ).start()

            pltpu.make_async_copy(
                rows_v.at[bb], o_hbm.at[wid, c], wsem.at[bb]
            ).start()

        @pl.loop(0, c_per_w, step=2)
        def _(c):
            work(c, 0, 1)
            work(c + 1, 1, 0)

        pltpu.make_async_copy(
            rows_v.at[0], o_hbm.at[wid, 0], wsem.at[0]
        ).wait()
        pltpu.make_async_copy(
            rows_v.at[1], o_hbm.at[wid, 0], wsem.at[1]
        ).wait()

    out = gather_kernel(scaled, idx)
    return out.reshape(b, s, d)

# --- scband reference (transcript-rebuilt; emitter-appended) ---
"""Pipeline reference for scband-scaled-embedding-31920196944097 (READ-ONLY COPY).

The authoritative reference and input builder live on the scoring server;
editing this copy changes nothing except your own understanding.
"""

import jax, jax.numpy as jnp
import numpy as np
import math

V = 100000
D_MODEL = 128
BATCH = 4096
SEQ = 200

def setup_inputs(seed: int = 0) -> dict:
    key = jax.random.key(seed)
    k_tok, k_tab = jax.random.split(key)
    tokens = jax.random.randint(k_tok, (BATCH, SEQ), 0, V)
    # init_option == 'transformer': normal(mean=0, std=sqrt(1/d_model))
    table = jax.random.normal(k_tab, (V, D_MODEL), dtype=jnp.float32) * math.sqrt(1.0 / D_MODEL)
    return {"tokens": tokens, "table": table}

def reference(tokens, table):
    # forward_scale = sqrt(d_model) because init_option == 'transformer'
    d_model = table.shape[1]
    forward_scale = math.sqrt(d_model)
    embedded = jnp.take(table, tokens, axis=0) * forward_scale
    return embedded

if __name__ == "__main__":
    import jax
    _d = setup_inputs()
    print(jax.jit(kernel)(*tuple(_d.values())))

</pallas_src>

<mosaic_0001>
#map = affine_map<(d0, d1) -> (0, 0)>
#map1 = affine_map<(d0, d1) -> (0, 0, 0, 0)>
module attributes {stable_mosaic.version = 14 : i64} {
  func.func @gather_kernel(%arg0: i32, %arg1: i32, %arg2: memref<100000x128xf32, #tpu.memory_space<hbm>>, %arg3: memref<32x100x2x128xi32, #tpu.memory_space<hbm>>, %arg4: memref<32x100x256x128xf32, #tpu.memory_space<hbm>>, %arg5: memref<2x2x128xi32, #tpu.memory_space<vmem>>, %arg6: memref<2x256x128xf32, #tpu.memory_space<vmem>>, %arg7: memref<2x!tpu.dma_semaphore, #tpu.memory_space<semaphore_mem>>, %arg8: memref<2x!tpu.dma_semaphore, #tpu.memory_space<semaphore_mem>>, %arg9: memref<2x!tpu.dma_semaphore, #tpu.memory_space<semaphore_mem>>) attributes {dimension_semantics = [#tpu.dimension_semantics<core_parallel>, #tpu.dimension_semantics<subcore_parallel>], iteration_bounds = array<i64: 2, 16>, scalar_prefetch = 0 : i64, scratch_operands = 5 : i64, tpu.core_type = #tpu.core_type<sc_vector_subcore>, window_params = [{transform_indices = #map}, {transform_indices = #map1}, {transform_indices = #map1}]} {
    %mul3A = arith.constant 2 : i32
    %mul3A_0 = arith.muli %arg1, %mul3A : i32
    %add3A = arith.addi %mul3A_0, %arg0 : i32
    %run_scoped3A = arith.constant 0 : i32
    %run_scoped3A_1 = arith.constant 0 : i32
    "tpu.region"() ({
      %run_scoped3A_99 = tpu.sem_alloc : memref<!tpu.dma_semaphore, #tpu.memory_space<semaphore_mem>>
      %dma_start3A_100 = arith.constant 0 : i32
      %dma_start3A_101 = arith.constant 0 : i32
      %dma_start3A_102 = tpu.memref_slice %arg5[%run_scoped3A_1, %dma_start3A_100, %dma_start3A_101] : memref<2x2x128xi32, #tpu.memory_space<vmem>> -> memref<1x2x128xi32, #tpu.memory_space<vmem>>
      %dma_start3A_103 = tpu.memref_squeeze %dma_start3A_102 : memref<1x2x128xi32, #tpu.memory_space<vmem>> -> memref<2x128xi32, #tpu.memory_space<vmem>>
      %dma_start3A_104 = arith.constant 0 : i32
      %dma_start3A_105 = arith.constant 0 : i32
      %dma_start3A_106 = tpu.memref_slice %arg3[%add3A, %run_scoped3A, %dma_start3A_104, %dma_start3A_105] : memref<32x100x2x128xi32, #tpu.memory_space<hbm>> -> memref<1x1x2x128xi32, #tpu.memory_space<hbm>>
      %dma_start3A_107 = tpu.memref_squeeze %dma_start3A_106 : memref<1x1x2x128xi32, #tpu.memory_space<hbm>> -> memref<2x128xi32, #tpu.memory_space<hbm>>
      %dma_start3A_108 = arith.constant 0 : i32
      %dma_start3A_109 = arith.constant 0 : i32
      %dma_start3A_110 = tpu.memref_slice %arg5[%run_scoped3A_1, %dma_start3A_108, %dma_start3A_109] : memref<2x2x128xi32, #tpu.memory_space<vmem>> -> memref<1x2x128xi32, #tpu.memory_space<vmem>>
      %dma_start3A_111 = tpu.memref_squeeze %dma_start3A_110 : memref<1x2x128xi32, #tpu.memory_space<vmem>> -> memref<2x128xi32, #tpu.memory_space<vmem>>
      %dma_start3A_112 = arith.constant 0 : i32
      %dma_start3A_113 = arith.constant 0 : i32
      %dma_start3A_114 = tpu.memref_slice %arg3[%add3A, %run_scoped3A, %dma_start3A_112, %dma_start3A_113] : memref<32x100x2x128xi32, #tpu.memory_space<hbm>> -> memref<1x1x2x128xi32, #tpu.memory_space<hbm>>
      %dma_start3A_115 = tpu.memref_squeeze %dma_start3A_114 : memref<1x1x2x128xi32, #tpu.memory_space<hbm>> -> memref<2x128xi32, #tpu.memory_space<hbm>>
      tpu.enqueue_dma source(%dma_start3A_115 : memref<2x128xi32, #tpu.memory_space<hbm>>) target(%dma_start3A_111 : memref<2x128xi32, #tpu.memory_space<vmem>>) target_semaphore(%run_scoped3A_99 : memref<!tpu.dma_semaphore, #tpu.memory_space<semaphore_mem>>)
      %dma_wait3A_116 = arith.constant 0 : i32
      %dma_wait3A_117 = arith.constant 0 : i32
      %dma_wait3A_118 = tpu.memref_slice %arg5[%run_scoped3A_1, %dma_wait3A_116, %dma_wait3A_117] : memref<2x2x128xi32, #tpu.memory_space<vmem>> -> memref<1x2x128xi32, #tpu.memory_space<vmem>>
      %dma_wait3A_119 = tpu.memref_squeeze %dma_wait3A_118 : memref<1x2x128xi32, #tpu.memory_space<vmem>> -> memref<2x128xi32, #tpu.memory_space<vmem>>
      %dma_wait3A_120 = arith.constant 0 : i32
      %dma_wait3A_121 = arith.constant 0 : i32
      %dma_wait3A_122 = tpu.memref_slice %arg3[%add3A, %run_scoped3A, %dma_wait3A_120, %dma_wait3A_121] : memref<32x100x2x128xi32, #tpu.memory_space<hbm>> -> memref<1x1x2x128xi32, #tpu.memory_space<hbm>>
      %dma_wait3A_123 = tpu.memref_squeeze %dma_wait3A_122 : memref<1x1x2x128xi32, #tpu.memory_space<hbm>> -> memref<2x128xi32, #tpu.memory_space<hbm>>
      %dma_wait3A_124 = arith.constant 0 : i32
      %dma_wait3A_125 = arith.constant 0 : i32
      %dma_wait3A_126 = tpu.memref_slice %arg5[%run_scoped3A_1, %dma_wait3A_124, %dma_wait3A_125] : memref<2x2x128xi32, #tpu.memory_space<vmem>> -> memref<1x2x128xi32, #tpu.memory_space<vmem>>
      %dma_wait3A_127 = tpu.memref_squeeze %dma_wait3A_126 : memref<1x2x128xi32, #tpu.memory_space<vmem>> -> memref<2x128xi32, #tpu.memory_space<vmem>>
      %dma_wait3A_128 = arith.constant 0 : i32
      %dma_wait3A_129 = arith.constant 0 : i32
      %dma_wait3A_130 = tpu.memref_slice %arg3[%add3A, %run_scoped3A, %dma_wait3A_128, %dma_wait3A_129] : memref<32x100x2x128xi32, #tpu.memory_space<hbm>> -> memref<1x1x2x128xi32, #tpu.memory_space<hbm>>
      %dma_wait3A_131 = tpu.memref_squeeze %dma_wait3A_130 : memref<1x1x2x128xi32, #tpu.memory_space<hbm>> -> memref<2x128xi32, #tpu.memory_space<hbm>>
      tpu.wait_dma2 semaphore(%run_scoped3A_99 : memref<!tpu.dma_semaphore, #tpu.memory_space<semaphore_mem>>) src(%dma_wait3A_131 : memref<2x128xi32, #tpu.memory_space<hbm>>) dst(%dma_wait3A_127 : memref<2x128xi32, #tpu.memory_space<vmem>>)
      tpu.yield
    }) : () -> ()
    %dma_start3A = arith.constant 0 : i32
    %dma_start3A_2 = arith.constant 0 : i32
    %dma_start3A_3 = arith.constant 0 : i32
    %dma_start3A_4 = arith.constant 0 : i32
    %dma_start3A_5 = arith.constant 0 : i32
    %dma_start3A_6 = arith.constant 0 : i32
    %dma_start3A_7 = tpu.memref_slice %arg6[%dma_start3A_3, %dma_start3A_5, %dma_start3A_6] : memref<2x256x128xf32, #tpu.memory_space<vmem>> -> memref<1x128x128xf32, #tpu.memory_space<vmem>>
    %dma_start3A_8 = tpu.memref_squeeze %dma_start3A_7 : memref<1x128x128xf32, #tpu.memory_space<vmem>> -> memref<128x128xf32, #tpu.memory_space<vmem>>
    %dma_start3A_9 = arith.constant 0 : i32
    %dma_start3A_10 = tpu.memref_slice %arg5[%dma_start3A, %dma_start3A_2, %dma_start3A_9] : memref<2x2x128xi32, #tpu.memory_space<vmem>> -> memref<1x1x128xi32, #tpu.memory_space<vmem>>
    %dma_start3A_11 = tpu.memref_squeeze %dma_start3A_10 : memref<1x1x128xi32, #tpu.memory_space<vmem>> -> memref<128xi32, #tpu.memory_space<vmem>>
    %dma_start3A_12 = arith.constant 0 : i32
    %dma_start3A_13 = arith.constant 0 : i32
    %dma_start3A_14 = tpu.memref_slice %arg2[%dma_start3A_12, %dma_start3A_13] : memref<100000x128xf32, #tpu.memory_space<hbm>> -> memref<100000x128xf32, #tpu.memory_space<hbm>>
    %dma_start3A_15 = tpu.memref_slice %arg7[%dma_start3A_4] : memref<2x!tpu.dma_semaphore, #tpu.memory_space<semaphore_mem>> -> memref<1x!tpu.dma_semaphore, #tpu.memory_space<semaphore_mem>>
    %dma_start3A_16 = tpu.memref_squeeze %dma_start3A_15 : memref<1x!tpu.dma_semaphore, #tpu.memory_space<semaphore_mem>> -> memref<!tpu.dma_semaphore, #tpu.memory_space<semaphore_mem>>
    tpu.enqueue_indirect_dma source(%dma_start3A_14 : memref<100000x128xf32, #tpu.memory_space<hbm>>) target(%dma_start3A_8 : memref<128x128xf32, #tpu.memory_space<vmem>>) offsets(%dma_start3A_11 : memref<128xi32, #tpu.memory_space<vmem>>) semaphore(%dma_start3A_16 : memref<!tpu.dma_semaphore, #tpu.memory_space<semaphore_mem>>)
    %dma_start3A_17 = arith.constant 0 : i32
    %dma_start3A_18 = arith.constant 1 : i32
    %dma_start3A_19 = arith.constant 0 : i32
    %dma_start3A_20 = arith.constant 0 : i32
    %dma_start3A_21 = arith.constant 128 : i32
    %dma_start3A_22 = arith.constant 0 : i32
    %dma_start3A_23 = tpu.memref_slice %arg6[%dma_start3A_19, %dma_start3A_21, %dma_start3A_22] : memref<2x256x128xf32, #tpu.memory_space<vmem>> -> memref<1x128x128xf32, #tpu.memory_space<vmem>>
    %dma_start3A_24 = tpu.memref_squeeze %dma_start3A_23 : memref<1x128x128xf32, #tpu.memory_space<vmem>> -> memref<128x128xf32, #tpu.memory_space<vmem>>
    %dma_start3A_25 = arith.constant 0 : i32
    %dma_start3A_26 = tpu.memref_slice %arg5[%dma_start3A_17, %dma_start3A_18, %dma_start3A_25] : memref<2x2x128xi32, #tpu.memory_space<vmem>> -> memref<1x1x128xi32, #tpu.memory_space<vmem>>
    %dma_start3A_27 = tpu.memref_squeeze %dma_start3A_26 : memref<1x1x128xi32, #tpu.memory_space<vmem>> -> memref<128xi32, #tpu.memory_space<vmem>>
    %dma_start3A_28 = arith.constant 0 : i32
    %dma_start3A_29 = arith.constant 0 : i32
    %dma_start3A_30 = tpu.memref_slice %arg2[%dma_start3A_28, %dma_start3A_29] : memref<100000x128xf32, #tpu.memory_space<hbm>> -> memref<100000x128xf32, #tpu.memory_space<hbm>>
    %dma_start3A_31 = tpu.memref_slice %arg7[%dma_start3A_20] : memref<2x!tpu.dma_semaphore, #tpu.memory_space<semaphore_mem>> -> memref<1x!tpu.dma_semaphore, #tpu.memory_space<semaphore_mem>>
    %dma_start3A_32 = tpu.memref_squeeze %dma_start3A_31 : memref<1x!tpu.dma_semaphore, #tpu.memory_space<semaphore_mem>> -> memref<!tpu.dma_semaphore, #tpu.memory_space<semaphore_mem>>
    tpu.enqueue_indirect_dma source(%dma_start3A_30 : memref<100000x128xf32, #tpu.memory_space<hbm>>) target(%dma_start3A_24 : memref<128x128xf32, #tpu.memory_space<vmem>>) offsets(%dma_start3A_27 : memref<128xi32, #tpu.memory_space<vmem>>) semaphore(%dma_start3A_32 : memref<!tpu.dma_semaphore, #tpu.memory_space<semaphore_mem>>)
    %dma_start3A_33 = arith.constant 1 : i32
    %dma_start3A_34 = arith.constant 1 : i32
    %dma_start3A_35 = arith.constant 1 : i32
    %dma_start3A_36 = arith.constant 0 : i32
    %dma_start3A_37 = arith.constant 0 : i32
    %dma_start3A_38 = tpu.memref_slice %arg5[%dma_start3A_34, %dma_start3A_36, %dma_start3A_37] : memref<2x2x128xi32, #tpu.memory_space<vmem>> -> memref<1x2x128xi32, #tpu.memory_space<vmem>>
    %dma_start3A_39 = tpu.memref_squeeze %dma_start3A_38 : memref<1x2x128xi32, #tpu.memory_space<vmem>> -> memref<2x128xi32, #tpu.memory_space<vmem>>
    %dma_start3A_40 = arith.constant 0 : i32
    %dma_start3A_41 = arith.constant 0 : i32
    %dma_start3A_42 = tpu.memref_slice %arg3[%add3A, %dma_start3A_33, %dma_start3A_40, %dma_start3A_41] : memref<32x100x2x128xi32, #tpu.memory_space<hbm>> -> memref<1x1x2x128xi32, #tpu.memory_space<hbm>>
    %dma_start3A_43 = tpu.memref_squeeze %dma_start3A_42 : memref<1x1x2x128xi32, #tpu.memory_space<hbm>> -> memref<2x128xi32, #tpu.memory_space<hbm>>
    %dma_start3A_44 = tpu.memref_slice %arg9[%dma_start3A_35] : memref<2x!tpu.dma_semaphore, #tpu.memory_space<semaphore_mem>> -> memref<1x!tpu.dma_semaphore, #tpu.memory_space<semaphore_mem>>
    %dma_start3A_45 = tpu.memref_squeeze %dma_start3A_44 : memref<1x!tpu.dma_semaphore, #tpu.memory_space<semaphore_mem>> -> memref<!tpu.dma_semaphore, #tpu.memory_space<semaphore_mem>>
    %dma_start3A_46 = arith.constant 0 : i32
    %dma_start3A_47 = arith.constant 0 : i32
    %dma_start3A_48 = tpu.memref_slice %arg5[%dma_start3A_34, %dma_start3A_46, %dma_start3A_47] : memref<2x2x128xi32, #tpu.memory_space<vmem>> -> memref<1x2x128xi32, #tpu.memory_space<vmem>>
    %dma_start3A_49 = tpu.memref_squeeze %dma_start3A_48 : memref<1x2x128xi32, #tpu.memory_space<vmem>> -> memref<2x128xi32, #tpu.memory_space<vmem>>
    %dma_start3A_50 = arith.constant 0 : i32
    %dma_start3A_51 = arith.constant 0 : i32
    %dma_start3A_52 = tpu.memref_slice %arg3[%add3A, %dma_start3A_33, %dma_start3A_50, %dma_start3A_51] : memref<32x100x2x128xi32, #tpu.memory_space<hbm>> -> memref<1x1x2x128xi32, #tpu.memory_space<hbm>>
    %dma_start3A_53 = tpu.memref_squeeze %dma_start3A_52 : memref<1x1x2x128xi32, #tpu.memory_space<hbm>> -> memref<2x128xi32, #tpu.memory_space<hbm>>
    tpu.enqueue_dma source(%dma_start3A_53 : memref<2x128xi32, #tpu.memory_space<hbm>>) target(%dma_start3A_49 : memref<2x128xi32, #tpu.memory_space<vmem>>) target_semaphore(%dma_start3A_45 : memref<!tpu.dma_semaphore, #tpu.memory_space<semaphore_mem>>)
    %scan3A = arith.constant 0 : i32
    %scan3A_54 = arith.constant 50 : i32
    %scan3A_55 = arith.addi %scan3A, %scan3A_54 : i32
    %scan3A_56 = arith.constant 1 : i32
    scf.for %scan3A_99 = %scan3A to %scan3A_55 step %scan3A_56  : i32 {
      %mul3A_100 = arith.constant 2 : i32
      %mul3A_101 = arith.muli %scan3A_99, %mul3A_100 : i32
      %add3A_102 = arith.constant 0 : i32
      %add3A_103 = arith.addi %add3A_102, %mul3A_101 : i32
      %add3A_104 = arith.constant 1 : i32
      %add3A_105 = arith.addi %add3A_103, %add3A_104 : i32
      %lt3A = arith.constant 100 : i32
      %lt3A_106 = arith.cmpi slt, %add3A_105, %lt3A : i32
      %convert_element_type3A = arith.extui %lt3A_106 : i1 to i32
      %cond3A = arith.constant 0 : i32
      %cond3A_107 = arith.cmpi ne, %convert_element_type3A, %cond3A : i32
      scf.if %cond3A_107 {
        %dma_wait3A_213 = arith.constant 0 : i32
        %dma_wait3A_214 = arith.constant 1 : i32
        %dma_wait3A_215 = arith.constant 1 : i32
        %dma_wait3A_216 = arith.constant 0 : i32
        %dma_wait3A_217 = arith.constant 0 : i32
        %dma_wait3A_218 = tpu.memref_slice %arg5[%dma_wait3A_214, %dma_wait3A_216, %dma_wait3A_217] : memref<2x2x128xi32, #tpu.memory_space<vmem>> -> memref<1x2x128xi32, #tpu.memory_space<vmem>>
        %dma_wait3A_219 = tpu.memref_squeeze %dma_wait3A_218 : memref<1x2x128xi32, #tpu.memory_space<vmem>> -> memref<2x128xi32, #tpu.memory_space<vmem>>
        %dma_wait3A_220 = arith.constant 0 : i32
        %dma_wait3A_221 = arith.constant 0 : i32
        %dma_wait3A_222 = tpu.memref_slice %arg3[%add3A, %dma_wait3A_213, %dma_wait3A_220, %dma_wait3A_221] : memref<32x100x2x128xi32, #tpu.memory_space<hbm>> -> memref<1x1x2x128xi32, #tpu.memory_space<hbm>>
        %dma_wait3A_223 = tpu.memref_squeeze %dma_wait3A_222 : memref<1x1x2x128xi32, #tpu.memory_space<hbm>> -> memref<2x128xi32, #tpu.memory_space<hbm>>
        %dma_wait3A_224 = tpu.memref_slice %arg9[%dma_wait3A_215] : memref<2x!tpu.dma_semaphore, #tpu.memory_space<semaphore_mem>> -> memref<1x!tpu.dma_semaphore, #tpu.memory_space<semaphore_mem>>
        %dma_wait3A_225 = tpu.memref_squeeze %dma_wait3A_224 : memref<1x!tpu.dma_semaphore, #tpu.memory_space<semaphore_mem>> -> memref<!tpu.dma_semaphore, #tpu.memory_space<semaphore_mem>>
        %dma_wait3A_226 = arith.constant 0 : i32
        %dma_wait3A_227 = arith.constant 0 : i32
        %dma_wait3A_228 = tpu.memref_slice %arg5[%dma_wait3A_214, %dma_wait3A_226, %dma_wait3A_227] : memref<2x2x128xi32, #tpu.memory_space<vmem>> -> memref<1x2x128xi32, #tpu.memory_space<vmem>>
        %dma_wait3A_229 = tpu.memref_squeeze %dma_wait3A_228 : memref<1x2x128xi32, #tpu.memory_space<vmem>> -> memref<2x128xi32, #tpu.memory_space<vmem>>
        %dma_wait3A_230 = arith.constant 0 : i32
        %dma_wait3A_231 = arith.constant 0 : i32
        %dma_wait3A_232 = tpu.memref_slice %arg3[%add3A, %dma_wait3A_213, %dma_wait3A_230, %dma_wait3A_231] : memref<32x100x2x128xi32, #tpu.memory_space<hbm>> -> memref<1x1x2x128xi32, #tpu.memory_space<hbm>>
        %dma_wait3A_233 = tpu.memref_squeeze %dma_wait3A_232 : memref<1x1x2x128xi32, #tpu.memory_space<hbm>> -> memref<2x128xi32, #tpu.memory_space<hbm>>
        tpu.wait_dma2 semaphore(%dma_wait3A_225 : memref<!tpu.dma_semaphore, #tpu.memory_space<semaphore_mem>>) src(%dma_wait3A_233 : memref<2x128xi32, #tpu.memory_space<hbm>>) dst(%dma_wait3A_229 : memref<2x128xi32, #tpu.memory_space<vmem>>)
        %gt3A = arith.constant 0 : i32
        %gt3A_234 = arith.cmpi sgt, %add3A_103, %gt3A : i32
        %convert_element_type3A_235 = arith.extui %gt3A_234 : i1 to i32
        %cond3A_236 = arith.constant 0 : i32
        %cond3A_237 = arith.cmpi ne, %convert_element_type3A_235, %cond3A_236 : i32
        scf.if %cond3A_237 {
          %dma_wait3A_272 = arith.constant 1 : i32
          %dma_wait3A_273 = arith.constant 0 : i32
          %dma_wait3A_274 = arith.constant 1 : i32
          %dma_wait3A_275 = arith.constant 0 : i32
          %dma_wait3A_276 = arith.constant 0 : i32
          %dma_wait3A_277 = tpu.memref_slice %arg6[%dma_wait3A_272, %dma_wait3A_275, %dma_wait3A_276] : memref<2x256x128xf32, #tpu.memory_space<vmem>> -> memref<1x256x128xf32, #tpu.memory_space<vmem>>
          %dma_wait3A_278 = tpu.memref_squeeze %dma_wait3A_277 : memref<1x256x128xf32, #tpu.memory_space<vmem>> -> memref<256x128xf32, #tpu.memory_space<vmem>>
          %dma_wait3A_279 = arith.constant 0 : i32
          %dma_wait3A_280 = arith.constant 0 : i32
          %dma_wait3A_281 = tpu.memref_slice %arg4[%add3A, %dma_wait3A_273, %dma_wait3A_279, %dma_wait3A_280] : memref<32x100x256x128xf32, #tpu.memory_space<hbm>> -> memref<1x1x256x128xf32, #tpu.memory_space<hbm>>
          %dma_wait3A_282 = tpu.memref_squeeze %dma_wait3A_281 : memref<1x1x256x128xf32, #tpu.memory_space<hbm>> -> memref<256x128xf32, #tpu.memory_space<hbm>>
          %dma_wait3A_283 = tpu.memref_slice %arg8[%dma_wait3A_274] : memref<2x!tpu.dma_semaphore, #tpu.memory_space<semaphore_mem>> -> memref<1x!tpu.dma_semaphore, #tpu.memory_space<semaphore_mem>>
          %dma_wait3A_284 = tpu.memref_squeeze %dma_wait3A_283 : memref<1x!tpu.dma_semaphore, #tpu.memory_space<semaphore_mem>> -> memref<!tpu.dma_semaphore, #tpu.memory_space<semaphore_mem>>
          %dma_wait3A_285 = arith.constant 0 : i32
          %dma_wait3A_286 = arith.constant 0 : i32
          %dma_wait3A_287 = tpu.memref_slice %arg4[%add3A, %dma_wait3A_273, %dma_wait3A_285, %dma_wait3A_286] : memref<32x100x256x128xf32, #tpu.memory_space<hbm>> -> memref<1x1x256x128xf32, #tpu.memory_space<hbm>>
          %dma_wait3A_288 = tpu.memref_squeeze %dma_wait3A_287 : memref<1x1x256x128xf32, #tpu.memory_space<hbm>> -> memref<256x128xf32, #tpu.memory_space<hbm>>
          %dma_wait3A_289 = arith.constant 0 : i32
          %dma_wait3A_290 = arith.constant 0 : i32
          %dma_wait3A_291 = tpu.memref_slice %arg6[%dma_wait3A_272, %dma_wait3A_289, %dma_wait3A_290] : memref<2x256x128xf32, #tpu.memory_space<vmem>> -> memref<1x256x128xf32, #tpu.memory_space<vmem>>
          %dma_wait3A_292 = tpu.memref_squeeze %dma_wait3A_291 : memref<1x256x128xf32, #tpu.memory_space<vmem>> -> memref<256x128xf32, #tpu.memory_space<vmem>>
          tpu.wait_dma2 semaphore(%dma_wait3A_284 : memref<!tpu.dma_semaphore, #tpu.memory_space<semaphore_mem>>) src(%dma_wait3A_292 : memref<256x128xf32, #tpu.memory_space<vmem>>) dst(%dma_wait3A_288 : memref<256x128xf32, #tpu.memory_space<hbm>>)
        } else {
        }
        %add3A_238 = arith.constant 1 : i32
        %add3A_239 = arith.addi %add3A_103, %add3A_238 : i32
        %dma_start3A_240 = arith.constant 1 : i32
        %dma_start3A_241 = arith.constant 0 : i32
        %dma_start3A_242 = arith.constant 1 : i32
        %dma_start3A_243 = arith.constant 1 : i32
        %dma_start3A_244 = arith.constant 0 : i32
        %dma_start3A_245 = arith.constant 0 : i32
        %dma_start3A_246 = tpu.memref_slice %arg6[%dma_start3A_242, %dma_start3A_244, %dma_start3A_245] : memref<2x256x128xf32, #tpu.memory_space<vmem>> -> memref<1x128x128xf32, #tpu.memory_space<vmem>>
        %dma_start3A_247 = tpu.memref_squeeze %dma_start3A_246 : memref<1x128x128xf32, #tpu.memory_space<vmem>> -> memref<128x128xf32, #tpu.memory_space<vmem>>
        %dma_start3A_248 = arith.constant 0 : i32
        %dma_start3A_249 = tpu.memref_slice %arg5[%dma_start3A_240, %dma_start3A_241, %dma_start3A_248] : memref<2x2x128xi32, #tpu.memory_space<vmem>> -> memref<1x1x128xi32, #tpu.memory_space<vmem>>
        %dma_start3A_250 = tpu.memref_squeeze %dma_start3A_249 : memref<1x1x128xi32, #tpu.memory_space<vmem>> -> memref<128xi32, #tpu.memory_space<vmem>>
        %dma_start3A_251 = arith.constant 0 : i32
        %dma_start3A_252 = arith.constant 0 : i32
        %dma_start3A_253 = tpu.memref_slice %arg2[%dma_start3A_251, %dma_start3A_252] : memref<100000x128xf32, #tpu.memory_space<hbm>> -> memref<100000x128xf32, #tpu.memory_space<hbm>>
        %dma_start3A_254 = tpu.memref_slice %arg7[%dma_start3A_243] : memref<2x!tpu.dma_semaphore, #tpu.memory_space<semaphore_mem>> -> memref<1x!tpu.dma_semaphore, #tpu.memory_space<semaphore_mem>>
        %dma_start3A_255 = tpu.memref_squeeze %dma_start3A_254 : memref<1x!tpu.dma_semaphore, #tpu.memory_space<semaphore_mem>> -> memref<!tpu.dma_semaphore, #tpu.memory_space<semaphore_mem>>
        tpu.enqueue_indirect_dma source(%dma_start3A_253 : memref<100000x128xf32, #tpu.memory_space<hbm>>) target(%dma_start3A_247 : memref<128x128xf32, #tpu.memory_space<vmem>>) offsets(%dma_start3A_250 : memref<128xi32, #tpu.memory_space<vmem>>) semaphore(%dma_start3A_255 : memref<!tpu.dma_semaphore, #tpu.memory_space<semaphore_mem>>)
        %dma_start3A_256 = arith.constant 1 : i32
        %dma_start3A_257 = arith.constant 1 : i32
        %dma_start3A_258 = arith.constant 1 : i32
        %dma_start3A_259 = arith.constant 1 : i32
        %dma_start3A_260 = arith.constant 128 : i32
        %dma_start3A_261 = arith.constant 0 : i32
        %dma_start3A_262 = tpu.memref_slice %arg6[%dma_start3A_258, %dma_start3A_260, %dma_start3A_261] : memref<2x256x128xf32, #tpu.memory_space<vmem>> -> memref<1x128x128xf32, #tpu.memory_space<vmem>>
        %dma_start3A_263 = tpu.memref_squeeze %dma_start3A_262 : memref<1x128x128xf32, #tpu.memory_space<vmem>> -> memref<128x128xf32, #tpu.memory_space<vmem>>
        %dma_start3A_264 = arith.constant 0 : i32
        %dma_start3A_265 = tpu.memref_slice %arg5[%dma_start3A_256, %dma_start3A_257, %dma_start3A_264] : memref<2x2x128xi32, #tpu.memory_space<vmem>> -> memref<1x1x128xi32, #tpu.memory_space<vmem>>
        %dma_start3A_266 = tpu.memref_squeeze %dma_start3A_265 : memref<1x1x128xi32, #tpu.memory_space<vmem>> -> memref<128xi32, #tpu.memory_space<vmem>>
        %dma_start3A_267 = arith.constant 0 : i32
        %dma_start3A_268 = arith.constant 0 : i32
        %dma_start3A_269 = tpu.memref_slice %arg2[%dma_start3A_267, %dma_start3A_268] : memref<100000x128xf32, #tpu.memory_space<hbm>> -> memref<100000x128xf32, #tpu.memory_space<hbm>>
        %dma_start3A_270 = tpu.memref_slice %arg7[%dma_start3A_259] : memref<2x!tpu.dma_semaphore, #tpu.memory_space<semaphore_mem>> -> memref<1x!tpu.dma_semaphore, #tpu.memory_space<semaphore_mem>>
        %dma_start3A_271 = tpu.memref_squeeze %dma_start3A_270 : memref<1x!tpu.dma_semaphore, #tpu.memory_space<semaphore_mem>> -> memref<!tpu.dma_semaphore, #tpu.memory_space<semaphore_mem>>
        tpu.enqueue_indirect_dma source(%dma_start3A_269 : memref<100000x128xf32, #tpu.memory_space<hbm>>) target(%dma_start3A_263 : memref<128x128xf32, #tpu.memory_space<vmem>>) offsets(%dma_start3A_266 : memref<128xi32, #tpu.memory_space<vmem>>) semaphore(%dma_start3A_271 : memref<!tpu.dma_semaphore, #tpu.memory_space<semaphore_mem>>)
      } else {
      }
      %dma_wait3A_108 = arith.constant 0 : i32
      %dma_wait3A_109 = arith.constant 0 : i32
      %dma_wait3A_110 = arith.constant 0 : i32
      %dma_wait3A_111 = arith.constant 0 : i32
      %dma_wait3A_112 = arith.constant 0 : i32
      %dma_wait3A_113 = tpu.memref_slice %arg6[%dma_wait3A_109, %dma_wait3A_111, %dma_wait3A_112] : memref<2x256x128xf32, #tpu.memory_space<vmem>> -> memref<1x256x128xf32, #tpu.memory_space<vmem>>
      %dma_wait3A_114 = tpu.memref_squeeze %dma_wait3A_113 : memref<1x256x128xf32, #tpu.memory_space<vmem>> -> memref<256x128xf32, #tpu.memory_space<vmem>>
      %dma_wait3A_115 = arith.constant 0 : i32
      %dma_wait3A_116 = arith.constant 0 : i32
      %dma_wait3A_117 = tpu.memref_slice %arg4[%add3A, %dma_wait3A_108, %dma_wait3A_115, %dma_wait3A_116] : memref<32x100x256x128xf32, #tpu.memory_space<hbm>> -> memref<1x1x256x128xf32, #tpu.memory_space<hbm>>
      %dma_wait3A_118 = tpu.memref_squeeze %dma_wait3A_117 : memref<1x1x256x128xf32, #tpu.memory_space<hbm>> -> memref<256x128xf32, #tpu.memory_space<hbm>>
      %dma_wait3A_119 = tpu.memref_slice %arg7[%dma_wait3A_110] : memref<2x!tpu.dma_semaphore, #tpu.memory_space<semaphore_mem>> -> memref<1x!tpu.dma_semaphore, #tpu.memory_space<semaphore_mem>>
      %dma_wait3A_120 = tpu.memref_squeeze %dma_wait3A_119 : memref<1x!tpu.dma_semaphore, #tpu.memory_space<semaphore_mem>> -> memref<!tpu.dma_semaphore, #tpu.memory_space<semaphore_mem>>
      %dma_wait3A_121 = arith.constant 0 : i32
      %dma_wait3A_122 = arith.constant 0 : i32
      %dma_wait3A_123 = tpu.memref_slice %arg6[%dma_wait3A_109, %dma_wait3A_121, %dma_wait3A_122] : memref<2x256x128xf32, #tpu.memory_space<vmem>> -> memref<1x256x128xf32, #tpu.memory_space<vmem>>
      %dma_wait3A_124 = tpu.memref_squeeze %dma_wait3A_123 : memref<1x256x128xf32, #tpu.memory_space<vmem>> -> memref<256x128xf32, #tpu.memory_space<vmem>>
      %dma_wait3A_125 = arith.constant 0 : i32
      %dma_wait3A_126 = arith.constant 0 : i32
      %dma_wait3A_127 = tpu.memref_slice %arg4[%add3A, %dma_wait3A_108, %dma_wait3A_125, %dma_wait3A_126] : memref<32x100x256x128xf32, #tpu.memory_space<hbm>> -> memref<1x1x256x128xf32, #tpu.memory_space<hbm>>
      %dma_wait3A_128 = tpu.memref_squeeze %dma_wait3A_127 : memref<1x1x256x128xf32, #tpu.memory_space<hbm>> -> memref<256x128xf32, #tpu.memory_space<hbm>>
      tpu.wait_dma2 semaphore(%dma_wait3A_120 : memref<!tpu.dma_semaphore, #tpu.memory_space<semaphore_mem>>) src(%dma_wait3A_128 : memref<256x128xf32, #tpu.memory_space<hbm>>) dst(%dma_wait3A_124 : memref<256x128xf32, #tpu.memory_space<vmem>>)
      %add3A_129 = arith.constant 2 : i32
      %add3A_130 = arith.addi %add3A_103, %add3A_129 : i32
      %lt3A_131 = arith.constant 100 : i32
      %lt3A_132 = arith.cmpi slt, %add3A_130, %lt3A_131 : i32
      %convert_element_type3A_133 = arith.extui %lt3A_132 : i1 to i32
      %cond3A_134 = arith.constant 0 : i32
      %cond3A_135 = arith.cmpi ne, %convert_element_type3A_133, %cond3A_134 : i32
      scf.if %cond3A_135 {
        %add3A_213 = arith.constant 2 : i32
        %add3A_214 = arith.addi %add3A_103, %add3A_213 : i32
        %dma_start3A_215 = arith.constant 0 : i32
        %dma_start3A_216 = arith.constant 0 : i32
        %dma_start3A_217 = arith.constant 0 : i32
        %dma_start3A_218 = arith.constant 0 : i32
        %dma_start3A_219 = tpu.memref_slice %arg5[%dma_start3A_215, %dma_start3A_217, %dma_start3A_218] : memref<2x2x128xi32, #tpu.memory_space<vmem>> -> memref<1x2x128xi32, #tpu.memory_space<vmem>>
        %dma_start3A_220 = tpu.memref_squeeze %dma_start3A_219 : memref<1x2x128xi32, #tpu.memory_space<vmem>> -> memref<2x128xi32, #tpu.memory_space<vmem>>
        %dma_start3A_221 = arith.constant 0 : i32
        %dma_start3A_222 = arith.constant 0 : i32
        %dma_start3A_223 = tpu.memref_slice %arg3[%add3A, %add3A_214, %dma_start3A_221, %dma_start3A_222] : memref<32x100x2x128xi32, #tpu.memory_space<hbm>> -> memref<1x1x2x128xi32, #tpu.memory_space<hbm>>
        %dma_start3A_224 = tpu.memref_squeeze %dma_start3A_223 : memref<1x1x2x128xi32, #tpu.memory_space<hbm>> -> memref<2x128xi32, #tpu.memory_space<hbm>>
        %dma_start3A_225 = tpu.memref_slice %arg9[%dma_start3A_216] : memref<2x!tpu.dma_semaphore, #tpu.memory_space<semaphore_mem>> -> memref<1x!tpu.dma_semaphore, #tpu.memory_space<semaphore_mem>>
        %dma_start3A_226 = tpu.memref_squeeze %dma_start3A_225 : memref<1x!tpu.dma_semaphore, #tpu.memory_space<semaphore_mem>> -> memref<!tpu.dma_semaphore, #tpu.memory_space<semaphore_mem>>
        %dma_start3A_227 = arith.constant 0 : i32
        %dma_start3A_228 = arith.constant 0 : i32
        %dma_start3A_229 = tpu.memref_slice %arg5[%dma_start3A_215, %dma_start3A_227, %dma_start3A_228] : memref<2x2x128xi32, #tpu.memory_space<vmem>> -> memref<1x2x128xi32, #tpu.memory_space<vmem>>
        %dma_start3A_230 = tpu.memref_squeeze %dma_start3A_229 : memref<1x2x128xi32, #tpu.memory_space<vmem>> -> memref<2x128xi32, #tpu.memory_space<vmem>>
        %dma_start3A_231 = arith.constant 0 : i32
        %dma_start3A_232 = arith.constant 0 : i32
        %dma_start3A_233 = tpu.memref_slice %arg3[%add3A, %add3A_214, %dma_start3A_231, %dma_start3A_232] : memref<32x100x2x128xi32, #tpu.memory_space<hbm>> -> memref<1x1x2x128xi32, #tpu.memory_space<hbm>>
        %dma_start3A_234 = tpu.memref_squeeze %dma_start3A_233 : memref<1x1x2x128xi32, #tpu.memory_space<hbm>> -> memref<2x128xi32, #tpu.memory_space<hbm>>
        tpu.enqueue_dma source(%dma_start3A_234 : memref<2x128xi32, #tpu.memory_space<hbm>>) target(%dma_start3A_230 : memref<2x128xi32, #tpu.memory_space<vmem>>) target_semaphore(%dma_start3A_226 : memref<!tpu.dma_semaphore, #tpu.memory_space<semaphore_mem>>)
      } else {
      }
      %dma_start3A_136 = arith.constant 0 : i32
      %dma_start3A_137 = arith.constant 0 : i32
      %dma_start3A_138 = arith.constant 0 : i32
      %dma_start3A_139 = arith.constant 0 : i32
      %dma_start3A_140 = tpu.memref_slice %arg6[%dma_start3A_136, %dma_start3A_138, %dma_start3A_139] : memref<2x256x128xf32, #tpu.memory_space<vmem>> -> memref<1x256x128xf32, #tpu.memory_space<vmem>>
      %dma_start3A_141 = tpu.memref_squeeze %dma_start3A_140 : memref<1x256x128xf32, #tpu.memory_space<vmem>> -> memref<256x128xf32, #tpu.memory_space<vmem>>
      %dma_start3A_142 = arith.constant 0 : i32
      %dma_start3A_143 = arith.constant 0 : i32
      %dma_start3A_144 = tpu.memref_slice %arg4[%add3A, %add3A_103, %dma_start3A_142, %dma_start3A_143] : memref<32x100x256x128xf32, #tpu.memory_space<hbm>> -> memref<1x1x256x128xf32, #tpu.memory_space<hbm>>
      %dma_start3A_145 = tpu.memref_squeeze %dma_start3A_144 : memref<1x1x256x128xf32, #tpu.memory_space<hbm>> -> memref<256x128xf32, #tpu.memory_space<hbm>>
      %dma_start3A_146 = tpu.memref_slice %arg8[%dma_start3A_137] : memref<2x!tpu.dma_semaphore, #tpu.memory_space<semaphore_mem>> -> memref<1x!tpu.dma_semaphore, #tpu.memory_space<semaphore_mem>>
      %dma_start3A_147 = tpu.memref_squeeze %dma_start3A_146 : memref<1x!tpu.dma_semaphore, #tpu.memory_space<semaphore_mem>> -> memref<!tpu.dma_semaphore, #tpu.memory_space<semaphore_mem>>
      %dma_start3A_148 = arith.constant 0 : i32
      %dma_start3A_149 = arith.constant 0 : i32
      %dma_start3A_150 = tpu.memref_slice %arg4[%add3A, %add3A_103, %dma_start3A_148, %dma_start3A_149] : memref<32x100x256x128xf32, #tpu.memory_space<hbm>> -> memref<1x1x256x128xf32, #tpu.memory_space<hbm>>
      %dma_start3A_151 = tpu.memref_squeeze %dma_start3A_150 : memref<1x1x256x128xf32, #tpu.memory_space<hbm>> -> memref<256x128xf32, #tpu.memory_space<hbm>>
      %dma_start3A_152 = arith.constant 0 : i32
      %dma_start3A_153 = arith.constant 0 : i32
      %dma_start3A_154 = tpu.memref_slice %arg6[%dma_start3A_136, %dma_start3A_152, %dma_start3A_153] : memref<2x256x128xf32, #tpu.memory_space<vmem>> -> memref<1x256x128xf32, #tpu.memory_space<vmem>>
      %dma_start3A_155 = tpu.memref_squeeze %dma_start3A_154 : memref<1x256x128xf32, #tpu.memory_space<vmem>> -> memref<256x128xf32, #tpu.memory_space<vmem>>
      tpu.enqueue_dma source(%dma_start3A_155 : memref<256x128xf32, #tpu.memory_space<vmem>>) target(%dma_start3A_151 : memref<256x128xf32, #tpu.memory_space<hbm>>) target_semaphore(%dma_start3A_147 : memref<!tpu.dma_semaphore, #tpu.memory_space<semaphore_mem>>)
      %add3A_156 = arith.constant 1 : i32
      %add3A_157 = arith.addi %add3A_103, %add3A_156 : i32
      %add3A_158 = arith.constant 1 : i32
      %add3A_159 = arith.addi %add3A_157, %add3A_158 : i32
      %lt3A_160 = arith.constant 100 : i32
      %lt3A_161 = arith.cmpi slt, %add3A_159, %lt3A_160 : i32
      %convert_element_type3A_162 = arith.extui %lt3A_161 : i1 to i32
      %cond3A_163 = arith.constant 0 : i32
      %cond3A_164 = arith.cmpi ne, %convert_element_type3A_162, %cond3A_163 : i32
      scf.if %cond3A_164 {
        %dma_wait3A_213 = arith.constant 0 : i32
        %dma_wait3A_214 = arith.constant 0 : i32
        %dma_wait3A_215 = arith.constant 0 : i32
        %dma_wait3A_216 = arith.constant 0 : i32
        %dma_wait3A_217 = arith.constant 0 : i32
        %dma_wait3A_218 = tpu.memref_slice %arg5[%dma_wait3A_214, %dma_wait3A_216, %dma_wait3A_217] : memref<2x2x128xi32, #tpu.memory_space<vmem>> -> memref<1x2x128xi32, #tpu.memory_space<vmem>>
        %dma_wait3A_219 = tpu.memref_squeeze %dma_wait3A_218 : memref<1x2x128xi32, #tpu.memory_space<vmem>> -> memref<2x128xi32, #tpu.memory_space<vmem>>
        %dma_wait3A_220 = arith.constant 0 : i32
        %dma_wait3A_221 = arith.constant 0 : i32
        %dma_wait3A_222 = tpu.memref_slice %arg3[%add3A, %dma_wait3A_213, %dma_wait3A_220, %dma_wait3A_221] : memref<32x100x2x128xi32, #tpu.memory_space<hbm>> -> memref<1x1x2x128xi32, #tpu.memory_space<hbm>>
        %dma_wait3A_223 = tpu.memref_squeeze %dma_wait3A_222 : memref<1x1x2x128xi32, #tpu.memory_space<hbm>> -> memref<2x128xi32, #tpu.memory_space<hbm>>
        %dma_wait3A_224 = tpu.memref_slice %arg9[%dma_wait3A_215] : memref<2x!tpu.dma_semaphore, #tpu.memory_space<semaphore_mem>> -> memref<1x!tpu.dma_semaphore, #tpu.memory_space<semaphore_mem>>
        %dma_wait3A_225 = tpu.memref_squeeze %dma_wait3A_224 : memref<1x!tpu.dma_semaphore, #tpu.memory_space<semaphore_mem>> -> memref<!tpu.dma_semaphore, #tpu.memory_space<semaphore_mem>>
        %dma_wait3A_226 = arith.constant 0 : i32
        %dma_wait3A_227 = arith.constant 0 : i32
        %dma_wait3A_228 = tpu.memref_slice %arg5[%dma_wait3A_214, %dma_wait3A_226, %dma_wait3A_227] : memref<2x2x128xi32, #tpu.memory_space<vmem>> -> memref<1x2x128xi32, #tpu.memory_space<vmem>>
        %dma_wait3A_229 = tpu.memref_squeeze %dma_wait3A_228 : memref<1x2x128xi32, #tpu.memory_space<vmem>> -> memref<2x128xi32, #tpu.memory_space<vmem>>
        %dma_wait3A_230 = arith.constant 0 : i32
        %dma_wait3A_231 = arith.constant 0 : i32
        %dma_wait3A_232 = tpu.memref_slice %arg3[%add3A, %dma_wait3A_213, %dma_wait3A_230, %dma_wait3A_231] : memref<32x100x2x128xi32, #tpu.memory_space<hbm>> -> memref<1x1x2x128xi32, #tpu.memory_space<hbm>>
        %dma_wait3A_233 = tpu.memref_squeeze %dma_wait3A_232 : memref<1x1x2x128xi32, #tpu.memory_space<hbm>> -> memref<2x128xi32, #tpu.memory_space<hbm>>
        tpu.wait_dma2 semaphore(%dma_wait3A_225 : memref<!tpu.dma_semaphore, #tpu.memory_space<semaphore_mem>>) src(%dma_wait3A_233 : memref<2x128xi32, #tpu.memory_space<hbm>>) dst(%dma_wait3A_229 : memref<2x128xi32, #tpu.memory_space<vmem>>)
        %gt3A = arith.constant 0 : i32
        %gt3A_234 = arith.cmpi sgt, %add3A_157, %gt3A : i32
        %convert_element_type3A_235 = arith.extui %gt3A_234 : i1 to i32
        %cond3A_236 = arith.constant 0 : i32
        %cond3A_237 = arith.cmpi ne, %convert_element_type3A_235, %cond3A_236 : i32
        scf.if %cond3A_237 {
          %dma_wait3A_272 = arith.constant 0 : i32
          %dma_wait3A_273 = arith.constant 0 : i32
          %dma_wait3A_274 = arith.constant 0 : i32
          %dma_wait3A_275 = arith.constant 0 : i32
          %dma_wait3A_276 = arith.constant 0 : i32
          %dma_wait3A_277 = tpu.memref_slice %arg6[%dma_wait3A_272, %dma_wait3A_275, %dma_wait3A_276] : memref<2x256x128xf32, #tpu.memory_space<vmem>> -> memref<1x256x128xf32, #tpu.memory_space<vmem>>
          %dma_wait3A_278 = tpu.memref_squeeze %dma_wait3A_277 : memref<1x256x128xf32, #tpu.memory_space<vmem>> -> memref<256x128xf32, #tpu.memory_space<vmem>>
          %dma_wait3A_279 = arith.constant 0 : i32
          %dma_wait3A_280 = arith.constant 0 : i32
          %dma_wait3A_281 = tpu.memref_slice %arg4[%add3A, %dma_wait3A_273, %dma_wait3A_279, %dma_wait3A_280] : memref<32x100x256x128xf32, #tpu.memory_space<hbm>> -> memref<1x1x256x128xf32, #tpu.memory_space<hbm>>
          %dma_wait3A_282 = tpu.memref_squeeze %dma_wait3A_281 : memref<1x1x256x128xf32, #tpu.memory_space<hbm>> -> memref<256x128xf32, #tpu.memory_space<hbm>>
          %dma_wait3A_283 = tpu.memref_slice %arg8[%dma_wait3A_274] : memref<2x!tpu.dma_semaphore, #tpu.memory_space<semaphore_mem>> -> memref<1x!tpu.dma_semaphore, #tpu.memory_space<semaphore_mem>>
          %dma_wait3A_284 = tpu.memref_squeeze %dma_wait3A_283 : memref<1x!tpu.dma_semaphore, #tpu.memory_space<semaphore_mem>> -> memref<!tpu.dma_semaphore, #tpu.memory_space<semaphore_mem>>
          %dma_wait3A_285 = arith.constant 0 : i32
          %dma_wait3A_286 = arith.constant 0 : i32
          %dma_wait3A_287 = tpu.memref_slice %arg4[%add3A, %dma_wait3A_273, %dma_wait3A_285, %dma_wait3A_286] : memref<32x100x256x128xf32, #tpu.memory_space<hbm>> -> memref<1x1x256x128xf32, #tpu.memory_space<hbm>>
          %dma_wait3A_288 = tpu.memref_squeeze %dma_wait3A_287 : memref<1x1x256x128xf32, #tpu.memory_space<hbm>> -> memref<256x128xf32, #tpu.memory_space<hbm>>
          %dma_wait3A_289 = arith.constant 0 : i32
          %dma_wait3A_290 = arith.constant 0 : i32
          %dma_wait3A_291 = tpu.memref_slice %arg6[%dma_wait3A_272, %dma_wait3A_289, %dma_wait3A_290] : memref<2x256x128xf32, #tpu.memory_space<vmem>> -> memref<1x256x128xf32, #tpu.memory_space<vmem>>
          %dma_wait3A_292 = tpu.memref_squeeze %dma_wait3A_291 : memref<1x256x128xf32, #tpu.memory_space<vmem>> -> memref<256x128xf32, #tpu.memory_space<vmem>>
          tpu.wait_dma2 semaphore(%dma_wait3A_284 : memref<!tpu.dma_semaphore, #tpu.memory_space<semaphore_mem>>) src(%dma_wait3A_292 : memref<256x128xf32, #tpu.memory_space<vmem>>) dst(%dma_wait3A_288 : memref<256x128xf32, #tpu.memory_space<hbm>>)
        } else {
        }
        %add3A_238 = arith.constant 1 : i32
        %add3A_239 = arith.addi %add3A_157, %add3A_238 : i32
        %dma_start3A_240 = arith.constant 0 : i32
        %dma_start3A_241 = arith.constant 0 : i32
        %dma_start3A_242 = arith.constant 0 : i32
        %dma_start3A_243 = arith.constant 0 : i32
        %dma_start3A_244 = arith.constant 0 : i32
        %dma_start3A_245 = arith.constant 0 : i32
        %dma_start3A_246 = tpu.memref_slice %arg6[%dma_start3A_242, %dma_start3A_244, %dma_start3A_245] : memref<2x256x128xf32, #tpu.memory_space<vmem>> -> memref<1x128x128xf32, #tpu.memory_space<vmem>>
        %dma_start3A_247 = tpu.memref_squeeze %dma_start3A_246 : memref<1x128x128xf32, #tpu.memory_space<vmem>> -> memref<128x128xf32, #tpu.memory_space<vmem>>
        %dma_start3A_248 = arith.constant 0 : i32
        %dma_start3A_249 = tpu.memref_slice %arg5[%dma_start3A_240, %dma_start3A_241, %dma_start3A_248] : memref<2x2x128xi32, #tpu.memory_space<vmem>> -> memref<1x1x128xi32, #tpu.memory_space<vmem>>
        %dma_start3A_250 = tpu.memref_squeeze %dma_start3A_249 : memref<1x1x128xi32, #tpu.memory_space<vmem>> -> memref<128xi32, #tpu.memory_space<vmem>>
        %dma_start3A_251 = arith.constant 0 : i32
        %dma_start3A_252 = arith.constant 0 : i32
        %dma_start3A_253 = tpu.memref_slice %arg2[%dma_start3A_251, %dma_start3A_252] : memref<100000x128xf32, #tpu.memory_space<hbm>> -> memref<100000x128xf32, #tpu.memory_space<hbm>>
        %dma_start3A_254 = tpu.memref_slice %arg7[%dma_start3A_243] : memref<2x!tpu.dma_semaphore, #tpu.memory_space<semaphore_mem>> -> memref<1x!tpu.dma_semaphore, #tpu.memory_space<semaphore_mem>>
        %dma_start3A_255 = tpu.memref_squeeze %dma_start3A_254 : memref<1x!tpu.dma_semaphore, #tpu.memory_space<semaphore_mem>> -> memref<!tpu.dma_semaphore, #tpu.memory_space<semaphore_mem>>
        tpu.enqueue_indirect_dma source(%dma_start3A_253 : memref<100000x128xf32, #tpu.memory_space<hbm>>) target(%dma_start3A_247 : memref<128x128xf32, #tpu.memory_space<vmem>>) offsets(%dma_start3A_250 : memref<128xi32, #tpu.memory_space<vmem>>) semaphore(%dma_start3A_255 : memref<!tpu.dma_semaphore, #tpu.memory_space<semaphore_mem>>)
        %dma_start3A_256 = arith.constant 0 : i32
        %dma_start3A_257 = arith.constant 1 : i32
        %dma_start3A_258 = arith.constant 0 : i32
        %dma_start3A_259 = arith.constant 0 : i32
        %dma_start3A_260 = arith.constant 128 : i32
        %dma_start3A_261 = arith.constant 0 : i32
        %dma_start3A_262 = tpu.memref_slice %arg6[%dma_start3A_258, %dma_start3A_260, %dma_start3A_261] : memref<2x256x128xf32, #tpu.memory_space<vmem>> -> memref<1x128x128xf32, #tpu.memory_space<vmem>>
        %dma_start3A_263 = tpu.memref_squeeze %dma_start3A_262 : memref<1x128x128xf32, #tpu.memory_space<vmem>> -> memref<128x128xf32, #tpu.memory_space<vmem>>
        %dma_start3A_264 = arith.constant 0 : i32
        %dma_start3A_265 = tpu.memref_slice %arg5[%dma_start3A_256, %dma_start3A_257, %dma_start3A_264] : memref<2x2x128xi32, #tpu.memory_space<vmem>> -> memref<1x1x128xi32, #tpu.memory_space<vmem>>
        %dma_start3A_266 = tpu.memref_squeeze %dma_start3A_265 : memref<1x1x128xi32, #tpu.memory_space<vmem>> -> memref<128xi32, #tpu.memory_space<vmem>>
        %dma_start3A_267 = arith.constant 0 : i32
        %dma_start3A_268 = arith.constant 0 : i32
        %dma_start3A_269 = tpu.memref_slice %arg2[%dma_start3A_267, %dma_start3A_268] : memref<100000x128xf32, #tpu.memory_space<hbm>> -> memref<100000x128xf32, #tpu.memory_space<hbm>>
        %dma_start3A_270 = tpu.memref_slice %arg7[%dma_start3A_259] : memref<2x!tpu.dma_semaphore, #tpu.memory_space<semaphore_mem>> -> memref<1x!tpu.dma_semaphore, #tpu.memory_space<semaphore_mem>>
        %dma_start3A_271 = tpu.memref_squeeze %dma_start3A_270 : memref<1x!tpu.dma_semaphore, #tpu.memory_space<semaphore_mem>> -> memref<!tpu.dma_semaphore, #tpu.memory_space<semaphore_mem>>
        tpu.enqueue_indirect_dma source(%dma_start3A_269 : memref<100000x128xf32, #tpu.memory_space<hbm>>) target(%dma_start3A_263 : memref<128x128xf32, #tpu.memory_space<vmem>>) offsets(%dma_start3A_266 : memref<128xi32, #tpu.memory_space<vmem>>) semaphore(%dma_start3A_271 : memref<!tpu.dma_semaphore, #tpu.memory_space<semaphore_mem>>)
      } else {
      }
      %dma_wait3A_165 = arith.constant 0 : i32
      %dma_wait3A_166 = arith.constant 1 : i32
      %dma_wait3A_167 = arith.constant 1 : i32
      %dma_wait3A_168 = arith.constant 0 : i32
      %dma_wait3A_169 = arith.constant 0 : i32
      %dma_wait3A_170 = tpu.memref_slice %arg6[%dma_wait3A_166, %dma_wait3A_168, %dma_wait3A_169] : memref<2x256x128xf32, #tpu.memory_space<vmem>> -> memref<1x256x128xf32, #tpu.memory_space<vmem>>
      %dma_wait3A_171 = tpu.memref_squeeze %dma_wait3A_170 : memref<1x256x128xf32, #tpu.memory_space<vmem>> -> memref<256x128xf32, #tpu.memory_space<vmem>>
      %dma_wait3A_172 = arith.constant 0 : i32
      %dma_wait3A_173 = arith.constant 0 : i32
      %dma_wait3A_174 = tpu.memref_slice %arg4[%add3A, %dma_wait3A_165, %dma_wait3A_172, %dma_wait3A_173] : memref<32x100x256x128xf32, #tpu.memory_space<hbm>> -> memref<1x1x256x128xf32, #tpu.memory_space<hbm>>
      %dma_wait3A_175 = tpu.memref_squeeze %dma_wait3A_174 : memref<1x1x256x128xf32, #tpu.memory_space<hbm>> -> memref<256x128xf32, #tpu.memory_space<hbm>>
      %dma_wait3A_176 = tpu.memref_slice %arg7[%dma_wait3A_167] : memref<2x!tpu.dma_semaphore, #tpu.memory_space<semaphore_mem>> -> memref<1x!tpu.dma_semaphore, #tpu.memory_space<semaphore_mem>>
      %dma_wait3A_177 = tpu.memref_squeeze %dma_wait3A_176 : memref<1x!tpu.dma_semaphore, #tpu.memory_space<semaphore_mem>> -> memref<!tpu.dma_semaphore, #tpu.memory_space<semaphore_mem>>
      %dma_wait3A_178 = arith.constant 0 : i32
      %dma_wait3A_179 = arith.constant 0 : i32
      %dma_wait3A_180 = tpu.memref_slice %arg6[%dma_wait3A_166, %dma_wait3A_178, %dma_wait3A_179] : memref<2x256x128xf32, #tpu.memory_space<vmem>> -> memref<1x256x128xf32, #tpu.memory_space<vmem>>
      %dma_wait3A_181 = tpu.memref_squeeze %dma_wait3A_180 : memref<1x256x128xf32, #tpu.memory_space<vmem>> -> memref<256x128xf32, #tpu.memory_space<vmem>>
      %dma_wait3A_182 = arith.constant 0 : i32
      %dma_wait3A_183 = arith.constant 0 : i32
      %dma_wait3A_184 = tpu.memref_slice %arg4[%add3A, %dma_wait3A_165, %dma_wait3A_182, %dma_wait3A_183] : memref<32x100x256x128xf32, #tpu.memory_space<hbm>> -> memref<1x1x256x128xf32, #tpu.memory_space<hbm>>
      %dma_wait3A_185 = tpu.memref_squeeze %dma_wait3A_184 : memref<1x1x256x128xf32, #tpu.memory_space<hbm>> -> memref<256x128xf32, #tpu.memory_space<hbm>>
      tpu.wait_dma2 semaphore(%dma_wait3A_177 : memref<!tpu.dma_semaphore, #tpu.memory_space<semaphore_mem>>) src(%dma_wait3A_185 : memref<256x128xf32, #tpu.memory_space<hbm>>) dst(%dma_wait3A_181 : memref<256x128xf32, #tpu.memory_space<vmem>>)
      %add3A_186 = arith.constant 2 : i32
      %add3A_187 = arith.addi %add3A_157, %add3A_186 : i32
      %lt3A_188 = arith.constant 100 : i32
      %lt3A_189 = arith.cmpi slt, %add3A_187, %lt3A_188 : i32
      %convert_element_type3A_190 = arith.extui %lt3A_189 : i1 to i32
      %cond3A_191 = arith.constant 0 : i32
      %cond3A_192 = arith.cmpi ne, %convert_element_type3A_190, %cond3A_191 : i32
      scf.if %cond3A_192 {
        %add3A_213 = arith.constant 2 : i32
        %add3A_214 = arith.addi %add3A_157, %add3A_213 : i32
        %dma_start3A_215 = arith.constant 1 : i32
        %dma_start3A_216 = arith.constant 1 : i32
        %dma_start3A_217 = arith.constant 0 : i32
        %dma_start3A_218 = arith.constant 0 : i32
        %dma_start3A_219 = tpu.memref_slice %arg5[%dma_start3A_215, %dma_start3A_217, %dma_start3A_218] : memref<2x2x128xi32, #tpu.memory_space<vmem>> -> memref<1x2x128xi32, #tpu.memory_space<vmem>>
        %dma_start3A_220 = tpu.memref_squeeze %dma_start3A_219 : memref<1x2x128xi32, #tpu.memory_space<vmem>> -> memref<2x128xi32, #tpu.memory_space<vmem>>
        %dma_start3A_221 = arith.constant 0 : i32
        %dma_start3A_222 = arith.constant 0 : i32
        %dma_start3A_223 = tpu.memref_slice %arg3[%add3A, %add3A_214, %dma_start3A_221, %dma_start3A_222] : memref<32x100x2x128xi32, #tpu.memory_space<hbm>> -> memref<1x1x2x128xi32, #tpu.memory_space<hbm>>
        %dma_start3A_224 = tpu.memref_squeeze %dma_start3A_223 : memref<1x1x2x128xi32, #tpu.memory_space<hbm>> -> memref<2x128xi32, #tpu.memory_space<hbm>>
        %dma_start3A_225 = tpu.memref_slice %arg9[%dma_start3A_216] : memref<2x!tpu.dma_semaphore, #tpu.memory_space<semaphore_mem>> -> memref<1x!tpu.dma_semaphore, #tpu.memory_space<semaphore_mem>>
        %dma_start3A_226 = tpu.memref_squeeze %dma_start3A_225 : memref<1x!tpu.dma_semaphore, #tpu.memory_space<semaphore_mem>> -> memref<!tpu.dma_semaphore, #tpu.memory_space<semaphore_mem>>
        %dma_start3A_227 = arith.constant 0 : i32
        %dma_start3A_228 = arith.constant 0 : i32
        %dma_start3A_229 = tpu.memref_slice %arg5[%dma_start3A_215, %dma_start3A_227, %dma_start3A_228] : memref<2x2x128xi32, #tpu.memory_space<vmem>> -> memref<1x2x128xi32, #tpu.memory_space<vmem>>
        %dma_start3A_230 = tpu.memref_squeeze %dma_start3A_229 : memref<1x2x128xi32, #tpu.memory_space<vmem>> -> memref<2x128xi32, #tpu.memory_space<vmem>>
        %dma_start3A_231 = arith.constant 0 : i32
        %dma_start3A_232 = arith.constant 0 : i32
        %dma_start3A_233 = tpu.memref_slice %arg3[%add3A, %add3A_214, %dma_start3A_231, %dma_start3A_232] : memref<32x100x2x128xi32, #tpu.memory_space<hbm>> -> memref<1x1x2x128xi32, #tpu.memory_space<hbm>>
        %dma_start3A_234 = tpu.memref_squeeze %dma_start3A_233 : memref<1x1x2x128xi32, #tpu.memory_space<hbm>> -> memref<2x128xi32, #tpu.memory_space<hbm>>
        tpu.enqueue_dma source(%dma_start3A_234 : memref<2x128xi32, #tpu.memory_space<hbm>>) target(%dma_start3A_230 : memref<2x128xi32, #tpu.memory_space<vmem>>) target_semaphore(%dma_start3A_226 : memref<!tpu.dma_semaphore, #tpu.memory_space<semaphore_mem>>)
      } else {
      }
      %dma_start3A_193 = arith.constant 1 : i32
      %dma_start3A_194 = arith.constant 1 : i32
      %dma_start3A_195 = arith.constant 0 : i32
      %dma_start3A_196 = arith.constant 0 : i32
      %dma_start3A_197 = tpu.memref_slice %arg6[%dma_start3A_193, %dma_start3A_195, %dma_start3A_196] : memref<2x256x128xf32, #tpu.memory_space<vmem>> -> memref<1x256x128xf32, #tpu.memory_space<vmem>>
      %dma_start3A_198 = tpu.memref_squeeze %dma_start3A_197 : memref<1x256x128xf32, #tpu.memory_space<vmem>> -> memref<256x128xf32, #tpu.memory_space<vmem>>
      %dma_start3A_199 = arith.constant 0 : i32
      %dma_start3A_200 = arith.constant 0 : i32
      %dma_start3A_201 = tpu.memref_slice %arg4[%add3A, %add3A_157, %dma_start3A_199, %dma_start3A_200] : memref<32x100x256x128xf32, #tpu.memory_space<hbm>> -> memref<1x1x256x128xf32, #tpu.memory_space<hbm>>
      %dma_start3A_202 = tpu.memref_squeeze %dma_start3A_201 : memref<1x1x256x128xf32, #tpu.memory_space<hbm>> -> memref<256x128xf32, #tpu.memory_space<hbm>>
      %dma_start3A_203 = tpu.memref_slice %arg8[%dma_start3A_194] : memref<2x!tpu.dma_semaphore, #tpu.memory_space<semaphore_mem>> -> memref<1x!tpu.dma_semaphore, #tpu.memory_space<semaphore_mem>>
      %dma_start3A_204 = tpu.memref_squeeze %dma_start3A_203 : memref<1x!tpu.dma_semaphore, #tpu.memory_space<semaphore_mem>> -> memref<!tpu.dma_semaphore, #tpu.memory_space<semaphore_mem>>
      %dma_start3A_205 = arith.constant 0 : i32
      %dma_start3A_206 = arith.constant 0 : i32
      %dma_start3A_207 = tpu.memref_slice %arg4[%add3A, %add3A_157, %dma_start3A_205, %dma_start3A_206] : memref<32x100x256x128xf32, #tpu.memory_space<hbm>> -> memref<1x1x256x128xf32, #tpu.memory_space<hbm>>
      %dma_start3A_208 = tpu.memref_squeeze %dma_start3A_207 : memref<1x1x256x128xf32, #tpu.memory_space<hbm>> -> memref<256x128xf32, #tpu.memory_space<hbm>>
      %dma_start3A_209 = arith.constant 0 : i32
      %dma_start3A_210 = arith.constant 0 : i32
      %dma_start3A_211 = tpu.memref_slice %arg6[%dma_start3A_193, %dma_start3A_209, %dma_start3A_210] : memref<2x256x128xf32, #tpu.memory_space<vmem>> -> memref<1x256x128xf32, #tpu.memory_space<vmem>>
      %dma_start3A_212 = tpu.memref_squeeze %dma_start3A_211 : memref<1x256x128xf32, #tpu.memory_space<vmem>> -> memref<256x128xf32, #tpu.memory_space<vmem>>
      tpu.enqueue_dma source(%dma_start3A_212 : memref<256x128xf32, #tpu.memory_space<vmem>>) target(%dma_start3A_208 : memref<256x128xf32, #tpu.memory_space<hbm>>) target_semaphore(%dma_start3A_204 : memref<!tpu.dma_semaphore, #tpu.memory_space<semaphore_mem>>)
    }
    %scan3A_57 = arith.constant 50 : i32
    %dma_wait3A = arith.constant 0 : i32
    %dma_wait3A_58 = arith.constant 0 : i32
    %dma_wait3A_59 = arith.constant 0 : i32
    %dma_wait3A_60 = arith.constant 0 : i32
    %dma_wait3A_61 = arith.constant 0 : i32
    %dma_wait3A_62 = tpu.memref_slice %arg6[%dma_wait3A, %dma_wait3A_60, %dma_wait3A_61] : memref<2x256x128xf32, #tpu.memory_space<vmem>> -> memref<1x256x128xf32, #tpu.memory_space<vmem>>
    %dma_wait3A_63 = tpu.memref_squeeze %dma_wait3A_62 : memref<1x256x128xf32, #tpu.memory_space<vmem>> -> memref<256x128xf32, #tpu.memory_space<vmem>>
    %dma_wait3A_64 = arith.constant 0 : i32
    %dma_wait3A_65 = arith.constant 0 : i32
    %dma_wait3A_66 = tpu.memref_slice %arg4[%add3A, %dma_wait3A_58, %dma_wait3A_64, %dma_wait3A_65] : memref<32x100x256x128xf32, #tpu.memory_space<hbm>> -> memref<1x1x256x128xf32, #tpu.memory_space<hbm>>
    %dma_wait3A_67 = tpu.memref_squeeze %dma_wait3A_66 : memref<1x1x256x128xf32, #tpu.memory_space<hbm>> -> memref<256x128xf32, #tpu.memory_space<hbm>>
    %dma_wait3A_68 = tpu.memref_slice %arg8[%dma_wait3A_59] : memref<2x!tpu.dma_semaphore, #tpu.memory_space<semaphore_mem>> -> memref<1x!tpu.dma_semaphore, #tpu.memory_space<semaphore_mem>>
    %dma_wait3A_69 = tpu.memref_squeeze %dma_wait3A_68 : memref<1x!tpu.dma_semaphore, #tpu.memory_space<semaphore_mem>> -> memref<!tpu.dma_semaphore, #tpu.memory_space<semaphore_mem>>
    %dma_wait3A_70 = arith.constant 0 : i32
    %dma_wait3A_71 = arith.constant 0 : i32
    %dma_wait3A_72 = tpu.memref_slice %arg4[%add3A, %dma_wait3A_58, %dma_wait3A_70, %dma_wait3A_71] : memref<32x100x256x128xf32, #tpu.memory_space<hbm>> -> memref<1x1x256x128xf32, #tpu.memory_space<hbm>>
    %dma_wait3A_73 = tpu.memref_squeeze %dma_wait3A_72 : memref<1x1x256x128xf32, #tpu.memory_space<hbm>> -> memref<256x128xf32, #tpu.memory_space<hbm>>
    %dma_wait3A_74 = arith.constant 0 : i32
    %dma_wait3A_75 = arith.constant 0 : i32
    %dma_wait3A_76 = tpu.memref_slice %arg6[%dma_wait3A, %dma_wait3A_74, %dma_wait3A_75] : memref<2x256x128xf32, #tpu.memory_space<vmem>> -> memref<1x256x128xf32, #tpu.memory_space<vmem>>
    %dma_wait3A_77 = tpu.memref_squeeze %dma_wait3A_76 : memref<1x256x128xf32, #tpu.memory_space<vmem>> -> memref<256x128xf32, #tpu.memory_space<vmem>>
    tpu.wait_dma2 semaphore(%dma_wait3A_69 : memref<!tpu.dma_semaphore, #tpu.memory_space<semaphore_mem>>) src(%dma_wait3A_77 : memref<256x128xf32, #tpu.memory_space<vmem>>) dst(%dma_wait3A_73 : memref<256x128xf32, #tpu.memory_space<hbm>>)
    %dma_wait3A_78 = arith.constant 1 : i32
    %dma_wait3A_79 = arith.constant 0 : i32
    %dma_wait3A_80 = arith.constant 1 : i32
    %dma_wait3A_81 = arith.constant 0 : i32
    %dma_wait3A_82 = arith.constant 0 : i32
    %dma_wait3A_83 = tpu.memref_slice %arg6[%dma_wait3A_78, %dma_wait3A_81, %dma_wait3A_82] : memref<2x256x128xf32, #tpu.memory_space<vmem>> -> memref<1x256x128xf32, #tpu.memory_space<vmem>>
    %dma_wait3A_84 = tpu.memref_squeeze %dma_wait3A_83 : memref<1x256x128xf32, #tpu.memory_space<vmem>> -> memref<256x128xf32, #tpu.memory_space<vmem>>
    %dma_wait3A_85 = arith.constant 0 : i32
    %dma_wait3A_86 = arith.constant 0 : i32
    %dma_wait3A_87 = tpu.memref_slice %arg4[%add3A, %dma_wait3A_79, %dma_wait3A_85, %dma_wait3A_86] : memref<32x100x256x128xf32, #tpu.memory_space<hbm>> -> memref<1x1x256x128xf32, #tpu.memory_space<hbm>>
    %dma_wait3A_88 = tpu.memref_squeeze %dma_wait3A_87 : memref<1x1x256x128xf32, #tpu.memory_space<hbm>> -> memref<256x128xf32, #tpu.memory_space<hbm>>
    %dma_wait3A_89 = tpu.memref_slice %arg8[%dma_wait3A_80] : memref<2x!tpu.dma_semaphore, #tpu.memory_space<semaphore_mem>> -> memref<1x!tpu.dma_semaphore, #tpu.memory_space<semaphore_mem>>
    %dma_wait3A_90 = tpu.memref_squeeze %dma_wait3A_89 : memref<1x!tpu.dma_semaphore, #tpu.memory_space<semaphore_mem>> -> memref<!tpu.dma_semaphore, #tpu.memory_space<semaphore_mem>>
    %dma_wait3A_91 = arith.constant 0 : i32
    %dma_wait3A_92 = arith.constant 0 : i32
    %dma_wait3A_93 = tpu.memref_slice %arg4[%add3A, %dma_wait3A_79, %dma_wait3A_91, %dma_wait3A_92] : memref<32x100x256x128xf32, #tpu.memory_space<hbm>> -> memref<1x1x256x128xf32, #tpu.memory_space<hbm>>
    %dma_wait3A_94 = tpu.memref_squeeze %dma_wait3A_93 : memref<1x1x256x128xf32, #tpu.memory_space<hbm>> -> memref<256x128xf32, #tpu.memory_space<hbm>>
    %dma_wait3A_95 = arith.constant 0 : i32
    %dma_wait3A_96 = arith.constant 0 : i32
    %dma_wait3A_97 = tpu.memref_slice %arg6[%dma_wait3A_78, %dma_wait3A_95, %dma_wait3A_96] : memref<2x256x128xf32, #tpu.memory_space<vmem>> -> memref<1x256x128xf32, #tpu.memory_space<vmem>>
    %dma_wait3A_98 = tpu.memref_squeeze %dma_wait3A_97 : memref<1x256x128xf32, #tpu.memory_space<vmem>> -> memref<256x128xf32, #tpu.memory_space<vmem>>
    tpu.wait_dma2 semaphore(%dma_wait3A_90 : memref<!tpu.dma_semaphore, #tpu.memory_space<semaphore_mem>>) src(%dma_wait3A_98 : memref<256x128xf32, #tpu.memory_space<vmem>>) dst(%dma_wait3A_94 : memref<256x128xf32, #tpu.memory_space<hbm>>)
    return
  }
}

module attributes {stable_mosaic.version = 14 : i64} {
  func.func @body(%arg0: i32, %arg1: memref<4000x128xf32, #tpu.memory_space<vmem>>, %arg2: memref<4000x128xf32, #tpu.memory_space<vmem>>) attributes {dimension_semantics = [#tpu.dimension_semantics<arbitrary>], iteration_bounds = array<i64: 25>, scalar_prefetch = 0 : i64, scratch_operands = 0 : i64, tpu.core_type = #tpu.core_type<tc>, window_params = [{transform_indices = @transform_0, window_bounds = array<i64: 4000, 128>}, {transform_indices = @transform_1, window_bounds = array<i64: 4000, 128>}]} {
    %get3A = arith.constant 0 : index
    %get3A_0 = arith.constant 0 : index
    %get3A_1 = vector.load %arg1[%get3A, %get3A_0] : memref<4000x128xf32, #tpu.memory_space<vmem>>, vector<4000x128xf32>
    %mul3A = arith.constant 11.3137083 : f32
    %mul3A_2 = vector.broadcast %mul3A : f32 to vector<4000x128xf32>
    %mul3A_3 = arith.mulf %get3A_1, %mul3A_2 : vector<4000x128xf32>
    %swap3A = arith.constant 0 : index
    %swap3A_4 = arith.constant 0 : index
    %swap3A_5 = vector.load %arg2[%swap3A, %swap3A_4] : memref<4000x128xf32, #tpu.memory_space<vmem>>, vector<4000x128xf32>
    tpu.vector_store %arg2[%swap3A, %swap3A_4], %mul3A_3 {strides = array<i32>} : memref<4000x128xf32, #tpu.memory_space<vmem>>, vector<4000x128xf32>,
    return
  }
  func.func @transform_0(%arg0: i32) -> (i32, i32) {
    %c0_i32 = arith.constant 0 : i32
    %c0_i32_0 = arith.constant 0 : i32
    return %arg0, %c0_i32 : i32, i32
  }
  func.func @transform_1(%arg0: i32) -> (i32, i32) {
    %c0_i32 = arith.constant 0 : i32
    %c0_i32_0 = arith.constant 0 : i32
    return %arg0, %c0_i32 : i32, i32
  }
}

</mosaic_0001>

<sc_bundles>
// kernel: kernel.4.cloned.1.call-start
scs
__scs_entry_jumppad:
0x0: {  	(pc) =	sbr.rel $0x88, $3  }
0x1: {  	(tag) =	ssettag $0x0;
	lr =	simm.s32 $0x1  }
0x2: {  	[smem:$0x3F9F] =	sst lr;
	_ =	strace $0xD0000000  }
0x3: {  	_ = 	snop  }
0x4: {  	_ = 	snop  }
0x5: {  	_ = 	snop  }
0x6: {  	_ = 	snop  }
0x7: {  	_ = 	snop  }
__scs_overlays_trampoline_lowered:
0x8: {  	[smem:$0x3FAE] =	sst s0  }
0x9: {  	[smem:$0x3FAF] =	sst s1  }
0xa: {  	[smem:$0x3FB0] =	sst s2  }
0xb: {  	[smem:$0x3FB1] =	sst s3  }
0xc: {  	[smem:$0x3FB2] =	sst s4  }
0xd: {  	[smem:$0x3FB3] =	sst s5  }
0xe: {  	[smem:$0x3FB4] =	sst s6  }
0xf: {  	[smem:$0x3FB5] =	sst s7  }
0x10: {  	[smem:$0x3FB6] =	sst s8  }
0x11: {  	[smem:$0x3FB7] =	sst s9;
	s0 =	simm.s32 @!p0 $0x0  }
0x12: {  	s1 =	sld [smem:$0x3F9D];
	s0 =	simm.s32 @p0 $0x1  }
0x13: {  	[smem:$0x3FB8] =	sst s0;
	s0 =	simm.s32 @!p1 $0x0  }
0x14: {  	s2 =	sld [smem:$0x3F9C];
	s0 =	simm.s32 @p1 $0x1  }
0x15: {  	[smem:$0x3FB9] =	sst s0;
	s0 =	simm.s32 @!p2 $0x0  }
0x16: {  	s3 =	sld [smem:$0x3FDB];
	s0 =	simm.s32 @p2 $0x1  }
0x17: {  	s4 =	simm.s32 $0x1BF5;
	[smem:$0x3FBB] =	sst s0  }
0x18: {  	s0 =	sld [smem:$0x3F9E];
	_ =	swait.ge [sflag:s4], $0x0  }
0x19: {  	s7 =	sld [smem:$0x3F9F]  }
0x1a: {  	s8 =	sadd.s32 $0xFFFFE003, lr  }
0x1b: {  	s9 =	sadd.s32 $0xFFFFFEF7, lr;
	s5 =	simm.s32 $0xFFFFFFFF;
	p2 =	slt.u32 s8, $0xFFFFF086  }
0x1c: {  	p1 =	slt.u32 s9, $0xF7A;
	s5 =	simm.s32 @!p2 $0x0  }
0x1d: {  	s5 =	simm.s32 @p1 $0x1;
	p0 =	seq.s32 s7, s2  }
0x1e: {  	s7 =	smul.u32 @!p0 $0xF7A, s2;
	p2 =	seq.s32 @!p0 s5, $0x0  }
0x1f: {  	s9 =	smul.u32 $0xF7A, s1;
	s8 =	simm.s32 @!p0 $0x1BF5;
	p2 =	por !p2, p0  }
0x20: {  	[sflag:s8] =	ssyncset.s32 @!p0 $0xFFFFF086;
	s6 =	sadd.s32 @!p0 s3, s7;
	s7 =	simm.s32 @!p0 $0x108  }
0x21: {  	s3 =	sadd.s32 s3, s9;
	s6 =	sadd.s32 @!p0 $0x88, s6;
	s7 =	simm.s32 @p2 $0x1082  }
0x22: {  	[simem:s7], [sflag:s8] =	dma.local @!p0 [hbm:s6], $0xF7A  }
0x23: {  	s9 =	sor.u32 $0xD0000000, s2;
	s6 =	simm.s32 $0x108;
	_ =	swait.ge @!p0 [sflag:s8], $0x0  }
0x24: {  	s3 =	sadd.s32 $0x88, s3;
	s6 =	simm.s32 @!p1 $0x1082;
	[sflag:s4] =	ssyncset.s32 $0xFFFFF086  }
0x25: {  	[simem:s6], [sflag:s4] =	dma.local [hbm:s3], $0xF7A  }
0x26: {  	[smem:$0x3F9F] =	sst s1;
	(tag) =	ssettag s2;
	_ =	strace s9  }
0x27: {  	s1 =	sld [smem:$0x3FAF]  }
0x28: {  	s2 =	sld [smem:$0x3FB0]  }
0x29: {  	s4 =	sld [smem:$0x3FB2]  }
0x2a: {  	p0 =	seq.s32 s5, $0x0;
	s5 =	sld [smem:$0x3FB3]  }
0x2b: {  	s6 =	sld [smem:$0x3FB4]  }
0x2c: {  	s7 =	sld [smem:$0x3FB5]  }
0x2d: {  	s3 =	simm.s32 $0x108;
	s8 =	sld [smem:$0x3FB6]  }
0x2e: {  	s3 =	simm.s32 @!p0 $0x1082;
	s9 =	sld [smem:$0x3FB7]  }
0x2f: {  	lr =	sadd.s32 s0, s3;
	s0 =	sld [smem:$0x3FAE]  }
0x30: {  	s3 =	sld [smem:$0x3FB1]  }
0x31: {  	[smem:$0x3FBA] =	sst s10  }
0x32: {  	s10 =	sld [smem:$0x3FB8];
	_ =	sdelay $0x3  }
0x33: {  	p0 =	seq.s32 s10, $0x1;
	s10 =	sld [smem:$0x3FBA];
	_ =	sdelay $0x3  }
0x34: {  	[smem:$0x3FBA] =	sst s10  }
0x35: {  	s10 =	sld [smem:$0x3FB9];
	_ =	sdelay $0x3  }
0x36: {  	p1 =	seq.s32 s10, $0x1;
	s10 =	sld [smem:$0x3FBA];
	_ =	sdelay $0x3  }
0x37: {  	[smem:$0x3FBA] =	sst s10  }
0x38: {  	s10 =	sld [smem:$0x3FBB]  }
0x39: {  	_ = 	snop;
	(pc) =	sbr.ind lr, $3  }
0x3a: {  	_ = 	snop  }
0x3b: {  	_ = 	snop  }
0x3c: {  	p2 =	seq.s32 s10, $0x1;
	s10 =	sld [smem:$0x3FBA]  }
0x3d: {  	_ =	shalt  }
0x3e: {  	_ =	shalt  }
0x3f: {  	_ =	shalt  }
0x40: {  	_ =	shalt  }
0x41: {  	_ =	shalt  }
0x42: {  	_ =	shalt  }
0x43: {  	_ =	shalt  }
0x44: {  	_ =	shalt  }
0x45: {  	_ =	shalt  }
0x46: {  	_ =	shalt  }
0x47: {  	_ =	shalt  }
0x48: {  	_ =	shalt  }
0x49: {  	_ =	shalt  }
0x4a: {  	_ =	shalt  }
0x4b: {  	_ =	shalt  }
0x4c: {  	_ =	shalt  }
0x4d: {  	_ =	shalt  }
0x4e: {  	_ =	shalt  }
0x4f: {  	_ =	shalt  }
0x50: {  	_ =	shalt  }
0x51: {  	_ =	shalt  }
0x52: {  	_ =	shalt  }
0x53: {  	_ =	shalt  }
0x54: {  	_ =	shalt  }
0x55: {  	_ =	shalt  }
0x56: {  	_ =	shalt  }
0x57: {  	_ =	shalt  }
0x58: {  	_ =	shalt  }
0x59: {  	_ =	shalt  }
0x5a: {  	_ =	shalt  }
0x5b: {  	_ =	shalt  }
0x5c: {  	_ =	shalt  }
0x5d: {  	_ =	shalt  }
0x5e: {  	_ =	shalt  }
0x5f: {  	_ =	shalt  }
0x60: {  	_ =	shalt  }
0x61: {  	_ =	shalt  }
0x62: {  	_ =	shalt  }
0x63: {  	_ =	shalt  }
0x64: {  	_ =	shalt  }
0x65: {  	_ =	shalt  }
0x66: {  	_ =	shalt  }
0x67: {  	_ =	shalt  }
0x68: {  	_ =	shalt  }
0x69: {  	_ =	shalt  }
0x6a: {  	_ =	shalt  }
0x6b: {  	_ =	shalt  }
0x6c: {  	_ =	shalt  }
0x6d: {  	_ =	shalt  }
0x6e: {  	_ =	shalt  }
0x6f: {  	_ =	shalt  }
0x70: {  	_ =	shalt  }
0x71: {  	_ =	shalt  }
0x72: {  	_ =	shalt  }
0x73: {  	_ =	shalt  }
0x74: {  	_ =	shalt  }
0x75: {  	_ =	shalt  }
0x76: {  	_ =	shalt  }
0x77: {  	_ =	shalt  }
0x78: {  	_ =	shalt  }
0x79: {  	_ =	shalt  }
0x7a: {  	_ =	shalt  }
0x7b: {  	_ =	shalt  }
0x7c: {  	_ =	shalt  }
0x7d: {  	_ =	shalt  }
0x7e: {  	_ =	shalt  }
0x7f: {  	_ =	shalt  }
0x80: {  	_ =	shalt  }
0x81: {  	_ =	shalt  }
0x82: {  	_ =	shalt  }
0x83: {  	_ =	shalt  }
0x84: {  	_ =	shalt  }
0x85: {  	_ =	shalt  }
0x86: {  	_ =	shalt  }
0x87: {  	_ =	shalt  }
.Lfunc_end0:
.L_simem_size_0:
called_computation_lowered:
.L_overlay_start_0:
0x88: {  	s2 =	sld [smem:$0x3FD9]  }
0x89: {  	s3 =	sld [smem:$0x3FFE];
	_ =	sdelay $0x1  }
0x8a: {  	s1 =	srdreg.scid  }
0x8b: {  	s0 =	sand.u32 $0x1, s1  }
0x8c: {  	s17 =	sshll.u32 s0, $0xA;
	s2 =	sadd.s32 s3, s2  }
0x8d: {  	s2 =	sadd.s32 s2, s17  }
0x8e: {  	[smem:$0x3FC6] =	sst s2  }
0x8f: {  	_ = 	snop  }
0x90: {  	s2 =	sld [smem:$0x3FD0];
	(tm) =	ssettm $0x1  }
0x91: {  	s18 =	sld [smem:$0x3FFB];
	_ =	sdelay $0x3  }
0x92: {  	_ =	strace s18  }
0x93: {  	s3 =	sld [smem:$0x3FFC];
	_ =	sdelay $0x3  }
0x94: {  	_ =	strace s3  }
0x95: {  	s3 =	sld [smem:$0x3FFD];
	_ =	sdelay $0x3  }
0x96: {  	_ =	strace s3  }
0x97: {  	_ =	strace $0x8FFFFFFF  }
0x98: {  	s19 =	sld [smem:$0x3FDB];
	_ =	sdelay $0x1  }
0x99: {  	s4 =	simm.s32 $_scs_section_size  }
0x9a: {  	s5 =	simm.s32 $_size__tile_overlayer_lowered;
	s6 =	simm.s32 $_tile_overlayer_lowered  }
0x9b: {  	s22 =	simm.s32 $0x1BFF;
	s21 =	sshll.u32 s6, $0x1;
	s3 =	sadd.s32 s4, s19  }
0x9c: {  	s7 =	simm.s32 $0x0;
	s20 =	sshll.u32 s5, $0x1;
	s5 =	sadd.s32 s21, s3  }
0x9d: {  	[timem:s7], [sflag:s22] =	dma.local [hbm:s5], s20  }
0x9e: {  	_ =	swait.ge [sflag:s22], s20  }
0x9f: {  	s4 =	ssub.s32 $0x0, s20;
	[sflag:s22] =	ssyncset.done $0x0  }
0xa0: {  	[sflag:s22] =	ssyncadd.s32 s4;
	_ =	sdelay $0x1  }
0xa1: {  	s23 =	simm.s32 $0x1B8B  }
0xa2: {  	_ =	swait.ge [sflag:s23], $0x1  }
0xa3: {  	[sflag:s23] =	ssyncset.done $0x0  }
0xa4: {  	s25 =	simm.s32 $0x1B8E;
	s24 =	sld [smem:$0x3FFE];
	[sflag:s23] =	ssyncadd.s32 $0xFFFFFFFF  }
0xa5: {  	s26 =	simm.s32 $execute0_lowered;
	[smem:$0x3FD2] =	sst s25  }
0xa6: {  	s5 =	sshll.u32 s26, $0x1;
	_ =	strace $0x80000046;
	[dreg:$0x1] =	wrdreg $0xFFFFFFFF  }
0xa7: {  	s28 =	simm.s32 $_size_execute0_lowered;
	s3 =	sadd.s32 s3, s5;
	[dreg:$0x0] =	wrdreg $0x0  }
0xa8: {  	s5 =	sshll.u32 s28, $0x1;
	[dreg:$0x2] =	wrdreg s3  }
0xa9: {  	[dreg:$0x3] =	wrdreg s5  }
0xaa: {  	[dreg:$0x4] =	wrdreg $0xC0  }
0xab: {  	_ =	task [dreg:s7], $0x5FFFF  }
0xac: {  	[dreg:$0x1] =	wrdreg $0xFFFFFFFF  }
0xad: {  	[dreg:$0x0] =	wrdreg $0x60  }
0xae: {  	[dreg:$0x2] =	wrdreg s24  }
0xaf: {  	[dreg:$0x3] =	wrdreg s2  }
0xb0: {  	[dreg:$0x4] =	wrdreg $0x9  }
0xb1: {  	_ =	task.clear_ibuf [dreg:s7], $0x5FFFF;
	_ =	strace $0x90000046  }
0xb2: {  	s29 =	simm.s32 $0x9;
	_ =	strace $0x80000048  }
0xb3: {  	_ =	swait.ge [sflag:s29], $0x1  }
0xb4: {  	[sflag:s29] =	ssyncadd.s32 $0xFFFFFFFF  }
0xb5: {  	_ =	strace $0x90000048  }
0xb6: {  	_ =	sfence  }
0xb7: {  	s30 =	sld [smem:$0x0];
	_ =	sdelay $0x2  }
0xb8: {  	s31 =	sshll.u32 s1, $0xD;
	s1 =	sshrl.u32 s1, $0x2  }
0xb9: {  	s3 =	sand.u32 $0x4000, s31;
	s1 =	sadd.s32 s1, s30  }
0xba: {  	s0 =	sor.u32 s3, s0;
	s1 =	sshll.u32 s1, $0x11  }
0xbb: {  	s0 =	sor.u32 s1, s0  }
0xbc: {  	s0 =	sadd.s32 $0x8F2B, s0  }
0xbd: {  	[sflag:s0] =	ssyncadd.remote.s32 $0x1  }
0xbe: {  	_ =	sfence.sel $0xFFFF  }
0xbf: {  	[dreg:$0x0] =	wrdreg $0xFFFFFFFF;
	(pc) =	sbr.abs _section_cstart, $3  }
0xc0: {  	[dreg:$0x1] =	wrdreg $0xFFFFFFFF  }
0xc1: {  	_ =	task.clear_ibuf [dreg:s7], $0x2FFFF;
	_ =	strace $0x9FFFFFFF  }
0xc2: {  	(tm) =	ssettm $0x7FFFFFFF  }
0xc3: {  	_ =	shalt  }
tec
execute0_lowered:
.L_overlay_start_1:
0x0: {  	(tag) =	ssettag $0x1  }
0x1: {  	s0 =	rddreg [dreg:$0x0]  }
0x2: {  	s1 =	srdreg.scid;
	s13 =	stileid.u32  }
0x3: {  	s5 =	rddreg [dreg:$0x1];
	s2 =	simm.s32 $0x0;
	s17 =	simm.s32 $0x7  }
0x4: {  	s18 =	simm.s32 $0x80;
	s19 =	simm.s32 $0x200;
	s28 =	simm.s32 $0x5  }
0x5: {  	s29 =	simm.s32 $0x3;
	s30 =	simm.s32 $0x2;
	s11 =	smul.u32 $0xC800, s13  }
0x6: {  	s31 =	simm.s32 $0x4;
	s1 =	sand.u32 $0x1, s1;
	s25 =	smul.u32 $0x640000, s13  }
0x7: {  	s3 =	sshll.u32 s13, $0x1;
	[smem:$0x7FF] =	sst s2;
	s12 =	smul.u32 $0x6400, s1  }
0x8: {  	s4 =	sor.u32 s1, s3;
	s7 =	ssub.s32 $0x2, s1;
	s1 =	smul.u32 $0x320000, s1  }
0x9: {  	_ =	strace $0x80000047;
	s3 =	sadd.s32 $0x19400, s0;
	s6 =	smul.u32 $0x6400, s4  }
0xa: {  	s0 =	sadd.s32 $0x400, s0;
	s8 =	sshrl.u32 s7, $0x1;
	s4 =	smul.u32 $0x320000, s4  }
0xb: {  	s7 =	ssub.s32 s7, s8;
	s24 =	sadd.s32 s12, s11;
	s1 =	sadd.s32 s1, s25  }
0xc: {  	s25 =	simm.s32 $0xC200;
	s9 =	sshrl.u32 s6, $0x3;
	s21 =	sor.u32 $0x200, s6  }
0xd: {  	s6 =	sor.u32 $0x300, s6;
	s10 =	sor.u32 $0x8000, s4;
	s7 =	smax.u32 s7, $0x1  }
0xe: {  	s4 =	sshrl.u32 s4, $0x3;
	s12 =	sadd.s32 $0x500, s24;
	s20 =	sadd.s32 s0, s9  }
0xf: {  	[dreg:$0x5] =	wrdreg s7;
	s22 =	sshrl.u32 s21, $0x3;
	s23 =	sshrl.u32 s6, $0x3  }
0x10: {  	s10 =	sshrl.u32 s10, $0x3;
	s26 =	sshrl.u32 s12, $0x3;
	s6 =	sor.u32 $0x18000, s1  }
0x11: {  	s1 =	sor.u32 $0x10000, s1;
	s21 =	simm.s32 $0x100;
	[dreg:$0x3] =	wrdreg s20  }
0x12: {  	s8 =	sadd.s32 $0x20, s20;
	s7 =	sadd.s32 s0, s22;
	s10 =	sadd.s32 s5, s10  }
0x13: {  	s13 =	sadd.s32 s26, s0;
	s6 =	sshrl.u32 s6, $0x3;
	s1 =	sshrl.u32 s1, $0x3  }
0x14: {  	s20 =	simm.s32 $0x4200;
	s22 =	simm.s32 $0x6;
	[dreg:$0x4] =	wrdreg s8  }
0x15: {  	s26 =	simm.s32 $0x1;
	[dreg:$0x6] =	wrdreg s7;
	s8 =	sadd.s32 s5, s4  }
0x16: {  	s4 =	sadd.s32 s0, s23;
	s16 =	sadd.s32 s1, s5;
	s23 =	simm.s32 $0x8200  }
0x17: {  	s1 =	simm.s32 $0x0;
	[dreg:$0x7] =	wrdreg s4;
	s4 =	sadd.s32 $0x400, s24  }
0x18: {  	s11 =	sadd.s32 $0x62000, s8;
	s12 =	sadd.s32 $0x63000, s8;
	s4 =	sshrl.u32 s4, $0x3  }
0x19: {  	s24 =	simm.s32 $0x180;
	s14 =	sadd.s32 s4, s0;
	s4 =	sadd.s32 s6, s5  }
.LBB2_1:
0x1a: {  	s0 =	rddreg [dreg:$0x3]  }
0x1b: {  	[tilespmem:s2], [sflag:$0x7] =	stream.linear.gather [hbm4b:s0+s2], $0x100, $0x38;
	[tilespmem:$0x10200] =	vst v63  }
0x1c: {  	_ =	swait.ge [sflag:s17], $0x100  }
0x1d: {  	[sflag:s17] =	ssyncset.done $0x0  }
0x1e: {  	[sflag:s17] =	ssyncadd.s32 $0xFFFFFF00  }
0x1f: {  	[tilespmem:s19], [sflag:$0x1] =	stream.indirect.gather [hbm4b:s3+s18], $0x80, s2, s18, $0xb8;
	[tilespmem:$0x10200] =	vst v63  }
0x20: {  	_ = 	snop  }
0x21: {  	[tilespmem:s20], [sflag:$0x1] =	stream.indirect.gather [hbm4b:s3+s18], $0x80, s18, s18, $0xb8;
	[tilespmem:$0x10200] =	vst v63  }
0x22: {  	s5 =	rddreg [dreg:$0x4]  }
0x23: {  	[tilespmem:s21], [sflag:$0x6] =	stream.linear.gather [hbm4b:s5+s2], $0x100, $0x38;
	[tilespmem:$0x10200] =	vst v63  }
0x24: {  	_ =	swait.ge [sflag:s22], $0x100  }
0x25: {  	[sflag:s22] =	ssyncset.done $0x0  }
0x26: {  	[sflag:s22] =	ssyncadd.s32 $0xFFFFFF00  }
0x27: {  	[tilespmem:s23], [sflag:$0x2] =	stream.indirect.gather [hbm4b:s3+s18], $0x80, s21, s18, $0xb8;
	[tilespmem:$0x10200] =	vst v63  }
0x28: {  	_ = 	snop  }
0x29: {  	[tilespmem:s25], [sflag:$0x2] =	stream.indirect.gather [hbm4b:s3+s18], $0x80, s24, s18, $0xb8;
	[tilespmem:$0x10200] =	vst v63  }
0x2a: {  	_ =	swait.ge [sflag:s26], $0x8000  }
0x2b: {  	[sflag:s26] =	ssyncset.done $0x0  }
0x2c: {  	s6 =	rddreg [dreg:$0x6];
	[sflag:s26] =	ssyncadd.s32 $0xFFFF8000  }
0x2d: {  	[tilespmem:s2], [sflag:$0x5] =	stream.linear.gather [hbm4b:s6+s2], $0x100, $0x38;
	[tilespmem:$0x10200] =	vst v63  }
0x2e: {  	_ = 	snop  }
0x2f: {  	[hbm4b:s8+s2] =	stream.linear.scatter [tilespmem:s19], [sflag:$0x3], $0x8000, $0x38;
	[tilespmem:$0x10200] =	vst v63  }
0x30: {  	_ =	swait.ge [sflag:s28], $0x100  }
0x31: {  	[sflag:s28] =	ssyncset.done $0x0  }
0x32: {  	[sflag:s28] =	ssyncadd.s32 $0xFFFFFF00  }
0x33: {  	_ =	swait.ge [sflag:s29], $0x8000  }
0x34: {  	[sflag:s29] =	ssyncset.done $0x0  }
0x35: {  	[sflag:s29] =	ssyncadd.s32 $0xFFFF8000  }
0x36: {  	[tilespmem:s19], [sflag:$0x1] =	stream.indirect.gather [hbm4b:s3+s18], $0x80, s2, s18, $0xb8;
	[tilespmem:$0x10200] =	vst v63  }
0x37: {  	_ = 	snop  }
0x38: {  	[tilespmem:s20], [sflag:$0x1] =	stream.indirect.gather [hbm4b:s3+s18], $0x80, s18, s18, $0xb8;
	[tilespmem:$0x10200] =	vst v63  }
0x39: {  	_ =	swait.ge [sflag:s30], $0x8000  }
0x3a: {  	[sflag:s30] =	ssyncset.done $0x0  }
0x3b: {  	s7 =	rddreg [dreg:$0x7];
	[sflag:s30] =	ssyncadd.s32 $0xFFFF8000  }
0x3c: {  	[tilespmem:s21], [sflag:$0x6] =	stream.linear.gather [hbm4b:s7+s2], $0x100, $0x38;
	[tilespmem:$0x10200] =	vst v63  }
0x3d: {  	_ = 	snop  }
0x3e: {  	[hbm4b:s10+s2] =	stream.linear.scatter [tilespmem:s23], [sflag:$0x4], $0x8000, $0x38;
	[tilespmem:$0x10200] =	vst v63  }
0x3f: {  	_ =	swait.ge [sflag:s22], $0x100  }
0x40: {  	[sflag:s22] =	ssyncset.done $0x0  }
0x41: {  	[sflag:s22] =	ssyncadd.s32 $0xFFFFFF00  }
0x42: {  	_ =	swait.ge [sflag:s31], $0x8000  }
0x43: {  	[sflag:s31] =	ssyncset.done $0x0  }
0x44: {  	[sflag:s31] =	ssyncadd.s32 $0xFFFF8000  }
0x45: {  	[tilespmem:s23], [sflag:$0x2] =	stream.indirect.gather [hbm4b:s3+s18], $0x80, s21, s18, $0xb8;
	[tilespmem:$0x10200] =	vst v63  }
0x46: {  	_ = 	snop  }
0x47: {  	[tilespmem:s25], [sflag:$0x2] =	stream.indirect.gather [hbm4b:s3+s18], $0x80, s24, s18, $0xb8;
	[tilespmem:$0x10200] =	vst v63  }
0x48: {  	_ =	swait.ge [sflag:s26], $0x8000  }
0x49: {  	[sflag:s26] =	ssyncset.done $0x0  }
0x4a: {  	s9 =	sadd.s32 $0x0, s14;
	[sflag:s26] =	ssyncadd.s32 $0xFFFF8000  }
0x4b: {  	[tilespmem:s2], [sflag:$0x5] =	stream.linear.gather [hbm4b:s9+s2], $0x100, $0x38;
	[tilespmem:$0x10200] =	vst v63  }
0x4c: {  	_ = 	snop  }
0x4d: {  	[hbm4b:s16+s2] =	stream.linear.scatter [tilespmem:s19], [sflag:$0x3], $0x8000, $0x38;
	[tilespmem:$0x10200] =	vst v63  }
0x4e: {  	_ =	swait.ge [sflag:s28], $0x100  }
0x4f: {  	[sflag:s28] =	ssyncset.done $0x0  }
0x50: {  	[sflag:s28] =	ssyncadd.s32 $0xFFFFFF00  }
0x51: {  	_ =	swait.ge [sflag:s29], $0x8000  }
0x52: {  	[sflag:s29] =	ssyncset.done $0x0  }
0x53: {  	[sflag:s29] =	ssyncadd.s32 $0xFFFF8000  }
0x54: {  	[tilespmem:s19], [sflag:$0x1] =	stream.indirect.gather [hbm4b:s3+s18], $0x80, s2, s18, $0xb8;
	[tilespmem:$0x10200] =	vst v63  }
0x55: {  	_ = 	snop  }
0x56: {  	[tilespmem:s20], [sflag:$0x1] =	stream.indirect.gather [hbm4b:s3+s18], $0x80, s18, s18, $0xb8;
	[tilespmem:$0x10200] =	vst v63  }
0x57: {  	_ =	swait.ge [sflag:s30], $0x8000  }
0x58: {  	[sflag:s30] =	ssyncset.done $0x0  }
0x59: {  	s15 =	sadd.s32 $0x0, s13;
	s0 =	simm.s32 $0x40;
	[sflag:s30] =	ssyncadd.s32 $0xFFFF8000  }
0x5a: {  	[tilespmem:s21], [sflag:$0x6] =	stream.linear.gather [hbm4b:s15+s2], $0x100, $0x38;
	[tilespmem:$0x10200] =	vst v63  }
0x5b: {  	s5 =	sadd.s32 $0x2000, s4;
	s6 =	sadd.s32 $0x2000, s16;
	s15 =	smov.u32 s4  }
.LBB2_2:
0x5c: {  	[hbm4b:s15+s2] =	stream.linear.scatter [tilespmem:s23], [sflag:$0x4], $0x8000, $0x38;
	[tilespmem:$0x10200] =	vst v63  }
0x5d: {  	s7 =	smov.u32 s0;
	s15 =	smov.u32 s5  }
0x5e: {  	p0 =	sne.s32 s0, $0xBC0;
	s0 =	sadd.s32 $0x40, s0;
	_ =	swait.ge [sflag:s22], $0x100  }
0x5f: {  	[sflag:s22] =	ssyncset.done $0x0  }
0x60: {  	[sflag:s22] =	ssyncadd.s32 $0xFFFFFF00  }
0x61: {  	_ =	swait.ge [sflag:s31], $0x8000  }
0x62: {  	[sflag:s31] =	ssyncset.done $0x0  }
0x63: {  	[sflag:s31] =	ssyncadd.s32 $0xFFFF8000  }
0x64: {  	[tilespmem:s23], [sflag:$0x2] =	stream.indirect.gather [hbm4b:s3+s18], $0x80, s21, s18, $0xb8;
	[tilespmem:$0x10200] =	vst v63  }
0x65: {  	_ = 	snop  }
0x66: {  	[tilespmem:s25], [sflag:$0x2] =	stream.indirect.gather [hbm4b:s3+s18], $0x80, s24, s18, $0xb8;
	[tilespmem:$0x10200] =	vst v63  }
0x67: {  	_ =	swait.ge [sflag:s26], $0x8000  }
0x68: {  	[sflag:s26] =	ssyncset.done $0x0  }
0x69: {  	s9 =	sadd.s32 s7, s14;
	[sflag:s26] =	ssyncadd.s32 $0xFFFF8000  }
0x6a: {  	[tilespmem:s2], [sflag:$0x5] =	stream.linear.gather [hbm4b:s9+s2], $0x100, $0x38;
	[tilespmem:$0x10200] =	vst v63  }
0x6b: {  	_ = 	snop  }
0x6c: {  	[hbm4b:s6+s2] =	stream.linear.scatter [tilespmem:s19], [sflag:$0x3], $0x8000, $0x38;
	[tilespmem:$0x10200] =	vst v63  }
0x6d: {  	_ =	swait.ge [sflag:s28], $0x100  }
0x6e: {  	[sflag:s28] =	ssyncset.done $0x0  }
0x6f: {  	[sflag:s28] =	ssyncadd.s32 $0xFFFFFF00  }
0x70: {  	_ =	swait.ge [sflag:s29], $0x8000  }
0x71: {  	[sflag:s29] =	ssyncset.done $0x0  }
0x72: {  	[sflag:s29] =	ssyncadd.s32 $0xFFFF8000  }
0x73: {  	[tilespmem:s19], [sflag:$0x1] =	stream.indirect.gather [hbm4b:s3+s18], $0x80, s2, s18, $0xb8;
	[tilespmem:$0x10200] =	vst v63  }
0x74: {  	_ = 	snop  }
0x75: {  	[tilespmem:s20], [sflag:$0x1] =	stream.indirect.gather [hbm4b:s3+s18], $0x80, s18, s18, $0xb8;
	[tilespmem:$0x10200] =	vst v63  }
.Ltmp0:
0x76: {  	_ =	swait.ge [sflag:s30], $0x8000;
	(pc) =	sbr.rel @p0 .LBB2_2-.Ltmp0, $4  }
0x77: {  	[sflag:s30] =	ssyncset.done $0x0  }
0x78: {  	s7 =	sadd.s32 s7, s13;
	[sflag:s30] =	ssyncadd.s32 $0xFFFF8000  }
0x79: {  	[tilespmem:s21], [sflag:$0x6] =	stream.linear.gather [hbm4b:s7+s2], $0x100, $0x38;
	[tilespmem:$0x10200] =	vst v63  }
0x7a: {  	s5 =	sadd.s32 $0x2000, s5;
	s6 =	sadd.s32 $0x2000, s6  }
0x7b: {  	[hbm4b:s15+s2] =	stream.linear.scatter [tilespmem:s23], [sflag:$0x4], $0x8000, $0x38;
	[tilespmem:$0x10200] =	vst v63  }
0x7c: {  	_ =	swait.ge [sflag:s22], $0x100  }
0x7d: {  	[sflag:s22] =	ssyncset.done $0x0  }
0x7e: {  	[sflag:s22] =	ssyncadd.s32 $0xFFFFFF00  }
0x7f: {  	_ =	swait.ge [sflag:s31], $0x8000  }
0x80: {  	[sflag:s31] =	ssyncset.done $0x0  }
0x81: {  	[sflag:s31] =	ssyncadd.s32 $0xFFFF8000  }
0x82: {  	[tilespmem:s23], [sflag:$0x2] =	stream.indirect.gather [hbm4b:s3+s18], $0x80, s21, s18, $0xb8;
	[tilespmem:$0x10200] =	vst v63  }
0x83: {  	_ = 	snop  }
0x84: {  	[tilespmem:s25], [sflag:$0x2] =	stream.indirect.gather [hbm4b:s3+s18], $0x80, s24, s18, $0xb8;
	[tilespmem:$0x10200] =	vst v63  }
0x85: {  	_ =	swait.ge [sflag:s26], $0x8000  }
0x86: {  	[sflag:s26] =	ssyncset.done $0x0  }
0x87: {  	[sflag:s26] =	ssyncadd.s32 $0xFFFF8000  }
0x88: {  	[hbm4b:s11+s2] =	stream.linear.scatter [tilespmem:s19], [sflag:$0x3], $0x8000, $0x38;
	[tilespmem:$0x10200] =	vst v63  }
0x89: {  	_ =	swait.ge [sflag:s30], $0x8000  }
0x8a: {  	[sflag:s30] =	ssyncset.done $0x0  }
0x8b: {  	[sflag:s30] =	ssyncadd.s32 $0xFFFF8000  }
0x8c: {  	[hbm4b:s12+s2] =	stream.linear.scatter [tilespmem:s23], [sflag:$0x4], $0x8000, $0x38;
	[tilespmem:$0x10200] =	vst v63  }
0x8d: {  	_ =	swait.ge [sflag:s29], $0x8000  }
0x8e: {  	[sflag:s29] =	ssyncset.done $0x0  }
0x8f: {  	[sflag:s29] =	ssyncadd.s32 $0xFFFF8000  }
0x90: {  	_ =	swait.ge [sflag:s31], $0x8000  }
0x91: {  	s1 =	sadd.s32 $0x1, s1;
	s0 =	rddreg [dreg:$0x5]  }
0x92: {  	p0 =	sne.s32 s1, s0  }
.Ltmp1:
0x93: {  	_ = 	snop;
	(pc) =	sbr.rel @p0 .LBB2_1-.Ltmp1, $3  }
0x94: {  	_ =	sdelay $0x1  }
0x95: {  	[sflag:s31] =	ssyncset.done $0x0  }
0x96: {  	[sflag:s31] =	ssyncadd.s32 $0xFFFF8000  }
0x97: {  	_ =	sfence.sel $0x180000  }
0x98: {  	[bflag:$0x0] =	sbarrier.arrive $0xFFFF  }
0x99: {  	_ =	strace $0x90000047  }
0x9a: {  	s0 =	stileid.u32;
	[bflag:$0x2] =	sbarrier.arrive $0xFFFF  }
0x9b: {  	p0 =	sne.s32 s0, $0x0;
	s0 =	rddreg [dreg:$0x2]  }
0x9c: {  	s0 =	sadd.s32 @!p0 $0x100000, s0  }
0x9d: {  	[sflag:s0] =	ssyncadd.tile.s32 @!p0 $0x1;
	_ =	shalt  }
.Lfunc_end2:
_tile_overlayer_lowered:
.L_overlay_start_2:
0x9e: {  	(tag) =	ssettag $0x2  }
0x9f: {  	s0 =	rddreg [dreg:$0x0];
	s2 =	stileid.u32  }
0xa0: {  	s1 =	rddreg [dreg:$0x1];
	p0 =	sne.s32 s2, $0x0  }
0xa1: {  	s3 =	rddreg [dreg:$0x2];
	[bflag:$0x3] =	sbarrier.arrive $0xFFFF;
	s2 =	simm.s32 @!p0 $0x1C07  }
0xa2: {  	[timem:s3], [sflag:s2] =	dma.local @!p0 [hbm:s0], s1  }
0xa3: {  	s0 =	simm.s32 @!p0 $0x7  }
0xa4: {  	_ =	swait.ge @!p0 [sflag:s0], s1  }
0xa5: {  	s1 =	ssub.s32 @!p0 $0x0, s1;
	[sflag:s0] =	ssyncset.done @!p0 $0x0  }
0xa6: {  	[sflag:s0] =	ssyncadd.s32 @!p0 s1  }
0xa7: {  	[bflag:$0x3] =	sbarrier.arrive $0xFFFF  }
0xa8: {  	_ =	shalt  }

</sc_bundles>
